<compile_context>
chip_gen: v7x
topology: tpu7x:2x2x1
jax: 0.10.2.dev20260603
libtpu: 0.0.44.dev20260713+nightly
codegen_flags: <defaults>
</compile_context>

<pallas_src>
import functools

import jax
import jax.numpy as jnp
from jax import lax
from jax.experimental import pallas as pl
from jax.experimental.pallas import tpu as pltpu
from jax.experimental.pallas import tpu_sc as plsc

_NC = 2
_NS = 16
_NW = _NC * _NS
_DW = 8
_VW = 8
_NB = 3


def _edge_chunk(ep, mult, align=1):
  for ch in range(128, 0, -1):
    if ep % ch == 0 and (ep // ch) % mult == 0 and ch % align == 0:
      return ch
  raise ValueError(f"no chunking for per-tile edge count {ep}")


def _sc_degree(ei, n, ch, kb):
  e = ei.shape[1]
  ep = e // _NW
  nchunk = ep // ch
  rpa = (n // _NS) // 8 * 8
  tail = n - _NS * rpa
  mesh = plsc.VectorSubcoreMesh(core_axis_name="c", subcore_axis_name="s")

  @functools.partial(
      pl.kernel,
      out_type=jax.ShapeDtypeStruct((_NC, n, _DW), jnp.float32),
      mesh=mesh,
      scratch_types=[
          pltpu.VMEM((ep,), jnp.int32),
          pltpu.VMEM((ch, _DW), jnp.float32),
          pltpu.VMEM_SHARED((n, _DW), jnp.float32),
          pltpu.SemaphoreType.DMA,
          pltpu.SemaphoreType.DMA,
      ],
      compiler_params=pltpu.CompilerParams(use_tc_tiling_on_sc=False),
  )
  def k(ei_hbm, ones_hbm, zero_hbm, out_hbm, didx, ones_v, acc, isem, ssem):
    c = lax.axis_index("c")
    s = lax.axis_index("s")
    wid = s * _NC + c
    ebase = pl.multiple_of(wid * ep, 8)
    rbase = pl.multiple_of(s * rpa, 8)
    ic = pltpu.async_copy(ei_hbm.at[1, pl.ds(ebase, ep)], didx, isem)
    pltpu.sync_copy(zero_hbm, acc.at[pl.ds(rbase, rpa)])
    if tail:
      @pl.when(s == _NS - 1)
      def _():
        pltpu.sync_copy(zero_hbm.at[pl.ds(0, tail)],
                        acc.at[pl.ds(_NS * rpa, tail)])
    pltpu.sync_copy(ones_hbm, ones_v)
    ic.wait()
    plsc.subcore_barrier()

    @pl.loop(0, nchunk // kb)
    def _(i):
      for k_ in range(kb):
        j = i * kb + k_
        pltpu.async_copy(ones_v, acc.at[didx.at[pl.ds(j * ch, ch)]], ssem,
                         add=True)
      for k_ in range(kb):
        j = i * kb + k_
        pltpu.make_async_copy(ones_v, acc.at[didx.at[pl.ds(j * ch, ch)]],
                              ssem).wait()

    plsc.subcore_barrier()
    pltpu.sync_copy(acc.at[pl.ds(rbase, rpa)], out_hbm.at[c, pl.ds(rbase, rpa)])
    if tail:
      @pl.when(s == _NS - 1)
      def _():
        pltpu.sync_copy(acc.at[pl.ds(_NS * rpa, tail)],
                        out_hbm.at[c, pl.ds(_NS * rpa, tail)])

  ones = jnp.ones((ch, _DW), jnp.float32)
  zero = jnp.zeros((rpa, _DW), jnp.float32)
  return k(ei, ones, zero)


def _sc_scatter(g, ei, ch):
  n, d = g.shape
  e = ei.shape[1]
  ep = e // _NW
  nchunk = ep // ch
  rpa = (n // _NS) // 8 * 8
  tail = n - _NS * rpa
  mesh = plsc.VectorSubcoreMesh(core_axis_name="c", subcore_axis_name="s")

  @functools.partial(
      pl.kernel,
      out_type=jax.ShapeDtypeStruct((_NC, n, d), jnp.float32),
      mesh=mesh,
      scratch_types=[
          pltpu.VMEM((ep,), jnp.int32),
          pltpu.VMEM((ep,), jnp.int32),
          pltpu.VMEM((_NB, ch, d), jnp.float32),
          pltpu.VMEM_SHARED((n, d), jnp.float32),
          pltpu.SemaphoreType.DMA,
          pltpu.SemaphoreType.DMA,
          pltpu.SemaphoreType.DMA((2 * _NB,)),
      ],
      compiler_params=pltpu.CompilerParams(use_tc_tiling_on_sc=False),
  )
  def k(g_hbm, ei_hbm, zero_hbm, out_hbm, sidx, didx, rows, acc,
        is0, is1, sems):
    gsem = sems.at[pl.ds(0, _NB)]
    ssem = sems.at[pl.ds(_NB, _NB)]
    c = lax.axis_index("c")
    s = lax.axis_index("s")
    wid = s * _NC + c
    ebase = pl.multiple_of(wid * ep, 8)
    rbase = pl.multiple_of(s * rpa, 8)
    ic0 = pltpu.async_copy(ei_hbm.at[0, pl.ds(ebase, ep)], sidx, is0)
    ic1 = pltpu.async_copy(ei_hbm.at[1, pl.ds(ebase, ep)], didx, is1)
    pltpu.sync_copy(zero_hbm, acc.at[pl.ds(rbase, rpa)])
    if tail:
      @pl.when(s == _NS - 1)
      def _():
        pltpu.sync_copy(zero_hbm.at[pl.ds(0, tail)],
                        acc.at[pl.ds(_NS * rpa, tail)])
    ic0.wait()
    ic1.wait()
    plsc.subcore_barrier()

    def g_start(j, b):
      pltpu.async_copy(g_hbm.at[sidx.at[pl.ds(j * ch, ch)]], rows.at[b],
                       gsem.at[b])

    def g_wait(j, b):
      pltpu.make_async_copy(g_hbm.at[sidx.at[pl.ds(j * ch, ch)]], rows.at[b],
                            gsem.at[b]).wait()

    def s_start(j, b):
      pltpu.async_copy(rows.at[b], acc.at[didx.at[pl.ds(j * ch, ch)]],
                       ssem.at[b], add=True)

    def s_wait(j, b):
      pltpu.make_async_copy(rows.at[b], acc.at[didx.at[pl.ds(j * ch, ch)]],
                            ssem.at[b]).wait()

    @pl.loop(0, nchunk + _NB)
    def _(t):
      b = lax.rem(t, _NB)
      bb = lax.rem(t + _NB - 1, _NB)

      @pl.when(t >= _NB)
      def _():
        s_wait(t - _NB, b)

      @pl.when(t < nchunk)
      def _():
        g_start(t, b)

      @pl.when(jnp.logical_and(t >= 1, t <= nchunk))
      def _():
        g_wait(t - 1, bb)
        s_start(t - 1, bb)

    plsc.subcore_barrier()
    pltpu.sync_copy(acc.at[pl.ds(rbase, rpa)],
                    out_hbm.at[c, pl.ds(rbase, rpa)])
    if tail:
      @pl.when(s == _NS - 1)
      def _():
        pltpu.sync_copy(acc.at[pl.ds(_NS * rpa, tail)],
                        out_hbm.at[c, pl.ds(_NS * rpa, tail)])

  zero = jnp.zeros((rpa, d), jnp.float32)
  return k(g, ei, zero)


def _tc_prep(degp, x, w1, bn):
  n, d = x.shape

  def body(degp_ref, x_ref, w1_ref, g1_ref, dinv_ref):
    deg = degp_ref[0, :, 0:1] + degp_ref[1, :, 0:1] + 1.0
    dv = lax.rsqrt(deg)
    hx = jnp.dot(x_ref[...], w1_ref[...], preferred_element_type=jnp.float32)
    g1_ref[...] = hx * dv
    dinv_ref[...] = jnp.broadcast_to(dv, (bn, _VW))

  grid = n // bn
  return pl.pallas_call(
      body,
      grid=(grid,),
      in_specs=[
          pl.BlockSpec((_NC, bn, _DW), lambda i: (0, i, 0)),
          pl.BlockSpec((bn, d), lambda i: (i, 0)),
          pl.BlockSpec((d, d), lambda i: (0, 0)),
      ],
      out_specs=[
          pl.BlockSpec((bn, d), lambda i: (i, 0)),
          pl.BlockSpec((bn, _VW), lambda i: (i, 0)),
      ],
      out_shape=[
          jax.ShapeDtypeStruct((n, d), jnp.float32),
          jax.ShapeDtypeStruct((n, _VW), jnp.float32),
      ],
  )(degp, x, w1)


def _tc_mid(sp, g1, dinv, b1, w2, bn):
  n, d = g1.shape

  def body(sp_ref, g1_ref, dinv_ref, b1_ref, w2_ref, g2_ref):
    dv = dinv_ref[:, 0:1]
    h1 = dv * (sp_ref[0] + sp_ref[1] + g1_ref[...]) + b1_ref[...]
    h1 = jnp.maximum(h1, 0.0)
    g2_ref[...] = jnp.dot(h1, w2_ref[...], preferred_element_type=jnp.float32) * dv

  grid = n // bn
  return pl.pallas_call(
      body,
      grid=(grid,),
      in_specs=[
          pl.BlockSpec((_NC, bn, d), lambda i: (0, i, 0)),
          pl.BlockSpec((bn, d), lambda i: (i, 0)),
          pl.BlockSpec((bn, _VW), lambda i: (i, 0)),
          pl.BlockSpec((1, d), lambda i: (0, 0)),
          pl.BlockSpec((d, d), lambda i: (0, 0)),
      ],
      out_specs=pl.BlockSpec((bn, d), lambda i: (i, 0)),
      out_shape=jax.ShapeDtypeStruct((n, d), jnp.float32),
  )(sp, g1, dinv, b1.reshape(1, d), w2)


def _tc_out(sp, g2, dinv, b2, wp, bp, bn):
  n, d = g2.shape
  dp = wp.shape[1]

  def body(sp_ref, g2_ref, dinv_ref, b2_ref, wp_ref, bp_ref, out_ref):
    dv = dinv_ref[:, 0:1]
    h2 = dv * (sp_ref[0] + sp_ref[1] + g2_ref[...]) + b2_ref[...]
    out_ref[...] = (
        jnp.dot(h2, wp_ref[...], preferred_element_type=jnp.float32)
        + bp_ref[...]
    )

  grid = n // bn
  return pl.pallas_call(
      body,
      grid=(grid,),
      in_specs=[
          pl.BlockSpec((_NC, bn, d), lambda i: (0, i, 0)),
          pl.BlockSpec((bn, d), lambda i: (i, 0)),
          pl.BlockSpec((bn, _VW), lambda i: (i, 0)),
          pl.BlockSpec((1, d), lambda i: (0, 0)),
          pl.BlockSpec((d, dp), lambda i: (0, 0)),
          pl.BlockSpec((1, dp), lambda i: (0, 0)),
      ],
      out_specs=pl.BlockSpec((bn, dp), lambda i: (i, 0)),
      out_shape=jax.ShapeDtypeStruct((n, dp), jnp.float32),
  )(sp, g2, dinv, b2.reshape(1, d), wp, bp.reshape(1, dp))


def kernel(x, edge_index, W1, b1, W2, b2, Wp, bp):
  n = x.shape[0]
  e = edge_index.shape[1]
  ep = e // _NW
  ch = _edge_chunk(ep, 1, align=8)
  kb = 5 if (ep // ch) % 5 == 0 else 1
  bn = 2000 if n % 2000 == 0 else (1000 if n % 1000 == 0 else 8)

  degp = _sc_degree(edge_index, n, ch, kb)
  g1, dinv = _tc_prep(degp, x, W1, bn)
  s1 = _sc_scatter(g1, edge_index, ch)
  g2 = _tc_mid(s1, g1, dinv, b1, W2, bn)
  s2 = _sc_scatter(g2, edge_index, ch)
  return _tc_out(s2, g2, dinv, b2, Wp, bp, bn)

# --- scband reference (transcript-rebuilt; emitter-appended) ---
"""Pipeline reference for scband-emotion-gnn-4827543241130 (READ-ONLY COPY).

The authoritative reference and input builder live on the scoring server;
editing this copy changes nothing except your own understanding.
"""

import jax, jax.numpy as jnp
import numpy as np

N = 10000
E = 320000
D_IN = 128
D_HID = 128
D_OUT = 128
D_PROJ = 768


def gcn_conv(x, edge_index, W, b):
    # Faithful PyG GCNConv: add self-loops, symmetric normalization D^-1/2 A D^-1/2, linear transform, bias
    n = x.shape[0]
    loop = jnp.arange(n, dtype=edge_index.dtype)
    src = jnp.concatenate([edge_index[0], loop])
    dst = jnp.concatenate([edge_index[1], loop])
    h = x @ W
    deg = jnp.zeros((n,), dtype=x.dtype).at[dst].add(1.0)
    dinv = jnp.where(deg > 0, 1.0 / jnp.sqrt(deg), 0.0)
    norm = dinv[src] * dinv[dst]
    msg = h[src] * norm[:, None]
    out = jnp.zeros((n, h.shape[1]), dtype=x.dtype).at[dst].add(msg)
    return out + b


def setup_inputs(seed: int = 0) -> dict:
    key = jax.random.key(seed)
    ks = jax.random.split(key, 8)
    x = jax.random.normal(ks[0], (N, D_IN), dtype=jnp.float32)
    edge_index = jax.random.randint(ks[1], (2, E), 0, N, dtype=jnp.int32)
    W1 = jax.random.normal(ks[2], (D_IN, D_HID), dtype=jnp.float32) * (1.0 / np.sqrt(D_IN))
    b1 = jnp.zeros((D_HID,), dtype=jnp.float32)
    W2 = jax.random.normal(ks[3], (D_HID, D_OUT), dtype=jnp.float32) * (1.0 / np.sqrt(D_HID))
    b2 = jnp.zeros((D_OUT,), dtype=jnp.float32)
    Wp = jax.random.normal(ks[4], (D_OUT, D_PROJ), dtype=jnp.float32) * (1.0 / np.sqrt(D_OUT))
    bp = jnp.zeros((D_PROJ,), dtype=jnp.float32)
    return {"x": x, "edge_index": edge_index, "W1": W1, "b1": b1, "W2": W2, "b2": b2, "Wp": Wp, "bp": bp}


def reference(x, edge_index, W1, b1, W2, b2, Wp, bp):
    h = jax.nn.relu(gcn_conv(x, edge_index, W1, b1))
    h = gcn_conv(h, edge_index, W2, b2)
    out = h @ Wp + bp
    return out

if __name__ == "__main__":
    import jax
    _d = setup_inputs()
    print(jax.jit(kernel)(*tuple(_d.values())))

</pallas_src>

<mosaic_0001>
#map = affine_map<(d0, d1) -> (0, 0)>
#map1 = affine_map<(d0, d1) -> (0, 0, 0)>
module attributes {stable_mosaic.version = 14 : i64} {
  func.func @k(%arg0: i32, %arg1: i32, %arg2: memref<2x320000xi32, #tpu.memory_space<hbm>>, %arg3: memref<80x8xf32, #tpu.memory_space<hbm>>, %arg4: memref<624x8xf32, #tpu.memory_space<hbm>>, %arg5: memref<2x10000x8xf32, #tpu.memory_space<hbm>>, %arg6: memref<10000xi32, #tpu.memory_space<vmem>>, %arg7: memref<80x8xf32, #tpu.memory_space<vmem>>, %arg8: memref<10000x8xf32, #tpu.memory_space<vmem_shared>>, %arg9: memref<!tpu.dma_semaphore, #tpu.memory_space<semaphore_mem>>, %arg10: memref<!tpu.dma_semaphore, #tpu.memory_space<semaphore_mem>>) attributes {dimension_semantics = [#tpu.dimension_semantics<core_parallel>, #tpu.dimension_semantics<subcore_parallel>], iteration_bounds = array<i64: 2, 16>, scalar_prefetch = 0 : i64, scratch_operands = 5 : i64, tpu.core_type = #tpu.core_type<sc_vector_subcore>, window_params = [{transform_indices = #map}, {transform_indices = #map}, {transform_indices = #map}, {transform_indices = #map1}]} {
    %mul3A = arith.constant 2 : i32
    %mul3A_0 = arith.muli %arg1, %mul3A : i32
    %add3A = arith.addi %mul3A_0, %arg0 : i32
    %mul3A_1 = arith.constant 10000 : i32
    %mul3A_2 = arith.muli %add3A, %mul3A_1 : i32
    %multiple_of3A = tpu.assume_multiple %mul3A_2, 8 : i32
    %mul3A_3 = arith.constant 624 : i32
    %mul3A_4 = arith.muli %arg1, %mul3A_3 : i32
    %multiple_of3A_5 = tpu.assume_multiple %mul3A_4, 8 : i32
    %dma_start3A = arith.constant 1 : i32
    %dma_start3A_6 = tpu.memref_slice %arg2[%dma_start3A, %multiple_of3A] : memref<2x320000xi32, #tpu.memory_space<hbm>> -> memref<1x10000xi32, #tpu.memory_space<hbm>>
    %dma_start3A_7 = tpu.memref_squeeze %dma_start3A_6 : memref<1x10000xi32, #tpu.memory_space<hbm>> -> memref<10000xi32, #tpu.memory_space<hbm>>
    %dma_start3A_8 = tpu.memref_slice %arg2[%dma_start3A, %multiple_of3A] : memref<2x320000xi32, #tpu.memory_space<hbm>> -> memref<1x10000xi32, #tpu.memory_space<hbm>>
    %dma_start3A_9 = tpu.memref_squeeze %dma_start3A_8 : memref<1x10000xi32, #tpu.memory_space<hbm>> -> memref<10000xi32, #tpu.memory_space<hbm>>
    tpu.enqueue_dma source(%dma_start3A_9 : memref<10000xi32, #tpu.memory_space<hbm>>) target(%arg6 : memref<10000xi32, #tpu.memory_space<vmem>>) target_semaphore(%arg9 : memref<!tpu.dma_semaphore, #tpu.memory_space<semaphore_mem>>)
    "tpu.region"() ({
      %run_scoped3A = tpu.sem_alloc : memref<!tpu.dma_semaphore, #tpu.memory_space<semaphore_mem>>
      %dma_start3A_26 = arith.constant 0 : i32
      %dma_start3A_27 = tpu.memref_slice %arg8[%multiple_of3A_5, %dma_start3A_26] : memref<10000x8xf32, #tpu.memory_space<vmem_shared>> -> memref<624x8xf32, #tpu.memory_space<vmem_shared>>
      tpu.enqueue_dma source(%arg4 : memref<624x8xf32, #tpu.memory_space<hbm>>) target(%dma_start3A_27 : memref<624x8xf32, #tpu.memory_space<vmem_shared>>) target_semaphore(%run_scoped3A : memref<!tpu.dma_semaphore, #tpu.memory_space<semaphore_mem>>)
      %dma_wait3A_28 = arith.constant 0 : i32
      %dma_wait3A_29 = tpu.memref_slice %arg8[%multiple_of3A_5, %dma_wait3A_28] : memref<10000x8xf32, #tpu.memory_space<vmem_shared>> -> memref<624x8xf32, #tpu.memory_space<vmem_shared>>
      tpu.wait_dma2 semaphore(%run_scoped3A : memref<!tpu.dma_semaphore, #tpu.memory_space<semaphore_mem>>) src(%arg4 : memref<624x8xf32, #tpu.memory_space<hbm>>) dst(%dma_wait3A_29 : memref<624x8xf32, #tpu.memory_space<vmem_shared>>)
      tpu.yield
    }) : () -> ()
    %eq3A = arith.constant 15 : i32
    %eq3A_10 = arith.cmpi eq, %arg1, %eq3A : i32
    %convert_element_type3A = arith.extui %eq3A_10 : i1 to i32
    %cond3A = arith.constant 0 : i32
    %cond3A_11 = arith.cmpi ne, %convert_element_type3A, %cond3A : i32
    scf.if %cond3A_11 {
      "tpu.region"() ({
        %run_scoped3A = tpu.sem_alloc : memref<!tpu.dma_semaphore, #tpu.memory_space<semaphore_mem>>
        %dma_start3A_26 = arith.constant 9984 : i32
        %dma_start3A_27 = arith.constant 0 : i32
        %dma_start3A_28 = tpu.memref_slice %arg8[%dma_start3A_26, %dma_start3A_27] : memref<10000x8xf32, #tpu.memory_space<vmem_shared>> -> memref<16x8xf32, #tpu.memory_space<vmem_shared>>
        %dma_start3A_29 = arith.constant 0 : i32
        %dma_start3A_30 = arith.constant 0 : i32
        %dma_start3A_31 = tpu.memref_slice %arg4[%dma_start3A_29, %dma_start3A_30] : memref<624x8xf32, #tpu.memory_space<hbm>> -> memref<16x8xf32, #tpu.memory_space<hbm>>
        tpu.enqueue_dma source(%dma_start3A_31 : memref<16x8xf32, #tpu.memory_space<hbm>>) target(%dma_start3A_28 : memref<16x8xf32, #tpu.memory_space<vmem_shared>>) target_semaphore(%run_scoped3A : memref<!tpu.dma_semaphore, #tpu.memory_space<semaphore_mem>>)
        %dma_wait3A_32 = arith.constant 9984 : i32
        %dma_wait3A_33 = arith.constant 0 : i32
        %dma_wait3A_34 = tpu.memref_slice %arg8[%dma_wait3A_32, %dma_wait3A_33] : memref<10000x8xf32, #tpu.memory_space<vmem_shared>> -> memref<16x8xf32, #tpu.memory_space<vmem_shared>>
        %dma_wait3A_35 = arith.constant 0 : i32
        %dma_wait3A_36 = arith.constant 0 : i32
        %dma_wait3A_37 = tpu.memref_slice %arg4[%dma_wait3A_35, %dma_wait3A_36] : memref<624x8xf32, #tpu.memory_space<hbm>> -> memref<16x8xf32, #tpu.memory_space<hbm>>
        tpu.wait_dma2 semaphore(%run_scoped3A : memref<!tpu.dma_semaphore, #tpu.memory_space<semaphore_mem>>) src(%dma_wait3A_37 : memref<16x8xf32, #tpu.memory_space<hbm>>) dst(%dma_wait3A_34 : memref<16x8xf32, #tpu.memory_space<vmem_shared>>)
        tpu.yield
      }) : () -> ()
    } else {
    }
    "tpu.region"() ({
      %run_scoped3A = tpu.sem_alloc : memref<!tpu.dma_semaphore, #tpu.memory_space<semaphore_mem>>
      tpu.enqueue_dma source(%arg3 : memref<80x8xf32, #tpu.memory_space<hbm>>) target(%arg7 : memref<80x8xf32, #tpu.memory_space<vmem>>) target_semaphore(%run_scoped3A : memref<!tpu.dma_semaphore, #tpu.memory_space<semaphore_mem>>)
      tpu.wait_dma2 semaphore(%run_scoped3A : memref<!tpu.dma_semaphore, #tpu.memory_space<semaphore_mem>>) src(%arg3 : memref<80x8xf32, #tpu.memory_space<hbm>>) dst(%arg7 : memref<80x8xf32, #tpu.memory_space<vmem>>)
      tpu.yield
    }) : () -> ()
    %dma_wait3A = arith.constant 1 : i32
    %dma_wait3A_12 = tpu.memref_slice %arg2[%dma_wait3A, %multiple_of3A] : memref<2x320000xi32, #tpu.memory_space<hbm>> -> memref<1x10000xi32, #tpu.memory_space<hbm>>
    %dma_wait3A_13 = tpu.memref_squeeze %dma_wait3A_12 : memref<1x10000xi32, #tpu.memory_space<hbm>> -> memref<10000xi32, #tpu.memory_space<hbm>>
    %dma_wait3A_14 = tpu.memref_slice %arg2[%dma_wait3A, %multiple_of3A] : memref<2x320000xi32, #tpu.memory_space<hbm>> -> memref<1x10000xi32, #tpu.memory_space<hbm>>
    %dma_wait3A_15 = tpu.memref_squeeze %dma_wait3A_14 : memref<1x10000xi32, #tpu.memory_space<hbm>> -> memref<10000xi32, #tpu.memory_space<hbm>>
    tpu.wait_dma2 semaphore(%arg9 : memref<!tpu.dma_semaphore, #tpu.memory_space<semaphore_mem>>) src(%dma_wait3A_15 : memref<10000xi32, #tpu.memory_space<hbm>>) dst(%arg6 : memref<10000xi32, #tpu.memory_space<vmem>>)
    %barrier3A = arith.constant 0 : index
    tpu.barrier barrier_id(%barrier3A)
    %scan3A = arith.constant 0 : i32
    %scan3A_16 = arith.constant 25 : i32
    %scan3A_17 = arith.addi %scan3A, %scan3A_16 : i32
    %scan3A_18 = arith.constant 1 : i32
    scf.for %scan3A_26 = %scan3A to %scan3A_17 step %scan3A_18  : i32 {
      %mul3A_27 = arith.constant 1 : i32
      %mul3A_28 = arith.muli %scan3A_26, %mul3A_27 : i32
      %add3A_29 = arith.constant 0 : i32
      %add3A_30 = arith.addi %add3A_29, %mul3A_28 : i32
      %mul3A_31 = arith.constant 5 : i32
      %mul3A_32 = arith.muli %add3A_30, %mul3A_31 : i32
      %add3A_33 = arith.constant 0 : i32
      %add3A_34 = arith.addi %mul3A_32, %add3A_33 : i32
      %mul3A_35 = arith.constant 80 : i32
      %mul3A_36 = arith.muli %add3A_34, %mul3A_35 : i32
      %dma_start3A_37 = tpu.memref_slice %arg6[%mul3A_36] : memref<10000xi32, #tpu.memory_space<vmem>> -> memref<80xi32, #tpu.memory_space<vmem>>
      %dma_start3A_38 = arith.constant 0 : i32
      %dma_start3A_39 = arith.constant 0 : i32
      %dma_start3A_40 = tpu.memref_slice %arg8[%dma_start3A_38, %dma_start3A_39] : memref<10000x8xf32, #tpu.memory_space<vmem_shared>> -> memref<10000x8xf32, #tpu.memory_space<vmem_shared>>
      tpu.enqueue_indirect_dma source(%arg7 : memref<80x8xf32, #tpu.memory_space<vmem>>) target(%dma_start3A_40 : memref<10000x8xf32, #tpu.memory_space<vmem_shared>>) offsets(%dma_start3A_37 : memref<80xi32, #tpu.memory_space<vmem>>) semaphore(%arg10 : memref<!tpu.dma_semaphore, #tpu.memory_space<semaphore_mem>>) {add = true}
      %mul3A_41 = arith.constant 5 : i32
      %mul3A_42 = arith.muli %add3A_30, %mul3A_41 : i32
      %add3A_43 = arith.constant 1 : i32
      %add3A_44 = arith.addi %mul3A_42, %add3A_43 : i32
      %mul3A_45 = arith.constant 80 : i32
      %mul3A_46 = arith.muli %add3A_44, %mul3A_45 : i32
      %dma_start3A_47 = tpu.memref_slice %arg6[%mul3A_46] : memref<10000xi32, #tpu.memory_space<vmem>> -> memref<80xi32, #tpu.memory_space<vmem>>
      %dma_start3A_48 = arith.constant 0 : i32
      %dma_start3A_49 = arith.constant 0 : i32
      %dma_start3A_50 = tpu.memref_slice %arg8[%dma_start3A_48, %dma_start3A_49] : memref<10000x8xf32, #tpu.memory_space<vmem_shared>> -> memref<10000x8xf32, #tpu.memory_space<vmem_shared>>
      tpu.enqueue_indirect_dma source(%arg7 : memref<80x8xf32, #tpu.memory_space<vmem>>) target(%dma_start3A_50 : memref<10000x8xf32, #tpu.memory_space<vmem_shared>>) offsets(%dma_start3A_47 : memref<80xi32, #tpu.memory_space<vmem>>) semaphore(%arg10 : memref<!tpu.dma_semaphore, #tpu.memory_space<semaphore_mem>>) {add = true}
      %mul3A_51 = arith.constant 5 : i32
      %mul3A_52 = arith.muli %add3A_30, %mul3A_51 : i32
      %add3A_53 = arith.constant 2 : i32
      %add3A_54 = arith.addi %mul3A_52, %add3A_53 : i32
      %mul3A_55 = arith.constant 80 : i32
      %mul3A_56 = arith.muli %add3A_54, %mul3A_55 : i32
      %dma_start3A_57 = tpu.memref_slice %arg6[%mul3A_56] : memref<10000xi32, #tpu.memory_space<vmem>> -> memref<80xi32, #tpu.memory_space<vmem>>
      %dma_start3A_58 = arith.constant 0 : i32
      %dma_start3A_59 = arith.constant 0 : i32
      %dma_start3A_60 = tpu.memref_slice %arg8[%dma_start3A_58, %dma_start3A_59] : memref<10000x8xf32, #tpu.memory_space<vmem_shared>> -> memref<10000x8xf32, #tpu.memory_space<vmem_shared>>
      tpu.enqueue_indirect_dma source(%arg7 : memref<80x8xf32, #tpu.memory_space<vmem>>) target(%dma_start3A_60 : memref<10000x8xf32, #tpu.memory_space<vmem_shared>>) offsets(%dma_start3A_57 : memref<80xi32, #tpu.memory_space<vmem>>) semaphore(%arg10 : memref<!tpu.dma_semaphore, #tpu.memory_space<semaphore_mem>>) {add = true}
      %mul3A_61 = arith.constant 5 : i32
      %mul3A_62 = arith.muli %add3A_30, %mul3A_61 : i32
      %add3A_63 = arith.constant 3 : i32
      %add3A_64 = arith.addi %mul3A_62, %add3A_63 : i32
      %mul3A_65 = arith.constant 80 : i32
      %mul3A_66 = arith.muli %add3A_64, %mul3A_65 : i32
      %dma_start3A_67 = tpu.memref_slice %arg6[%mul3A_66] : memref<10000xi32, #tpu.memory_space<vmem>> -> memref<80xi32, #tpu.memory_space<vmem>>
      %dma_start3A_68 = arith.constant 0 : i32
      %dma_start3A_69 = arith.constant 0 : i32
      %dma_start3A_70 = tpu.memref_slice %arg8[%dma_start3A_68, %dma_start3A_69] : memref<10000x8xf32, #tpu.memory_space<vmem_shared>> -> memref<10000x8xf32, #tpu.memory_space<vmem_shared>>
      tpu.enqueue_indirect_dma source(%arg7 : memref<80x8xf32, #tpu.memory_space<vmem>>) target(%dma_start3A_70 : memref<10000x8xf32, #tpu.memory_space<vmem_shared>>) offsets(%dma_start3A_67 : memref<80xi32, #tpu.memory_space<vmem>>) semaphore(%arg10 : memref<!tpu.dma_semaphore, #tpu.memory_space<semaphore_mem>>) {add = true}
      %mul3A_71 = arith.constant 5 : i32
      %mul3A_72 = arith.muli %add3A_30, %mul3A_71 : i32
      %add3A_73 = arith.constant 4 : i32
      %add3A_74 = arith.addi %mul3A_72, %add3A_73 : i32
      %mul3A_75 = arith.constant 80 : i32
      %mul3A_76 = arith.muli %add3A_74, %mul3A_75 : i32
      %dma_start3A_77 = tpu.memref_slice %arg6[%mul3A_76] : memref<10000xi32, #tpu.memory_space<vmem>> -> memref<80xi32, #tpu.memory_space<vmem>>
      %dma_start3A_78 = arith.constant 0 : i32
      %dma_start3A_79 = arith.constant 0 : i32
      %dma_start3A_80 = tpu.memref_slice %arg8[%dma_start3A_78, %dma_start3A_79] : memref<10000x8xf32, #tpu.memory_space<vmem_shared>> -> memref<10000x8xf32, #tpu.memory_space<vmem_shared>>
      tpu.enqueue_indirect_dma source(%arg7 : memref<80x8xf32, #tpu.memory_space<vmem>>) target(%dma_start3A_80 : memref<10000x8xf32, #tpu.memory_space<vmem_shared>>) offsets(%dma_start3A_77 : memref<80xi32, #tpu.memory_space<vmem>>) semaphore(%arg10 : memref<!tpu.dma_semaphore, #tpu.memory_space<semaphore_mem>>) {add = true}
      %mul3A_81 = arith.constant 5 : i32
      %mul3A_82 = arith.muli %add3A_30, %mul3A_81 : i32
      %add3A_83 = arith.constant 0 : i32
      %add3A_84 = arith.addi %mul3A_82, %add3A_83 : i32
      %mul3A_85 = arith.constant 80 : i32
      %mul3A_86 = arith.muli %add3A_84, %mul3A_85 : i32
      %dma_wait3A_87 = tpu.memref_slice %arg6[%mul3A_86] : memref<10000xi32, #tpu.memory_space<vmem>> -> memref<80xi32, #tpu.memory_space<vmem>>
      %dma_wait3A_88 = arith.constant 0 : i32
      %dma_wait3A_89 = arith.constant 0 : i32
      %dma_wait3A_90 = tpu.memref_slice %arg8[%dma_wait3A_88, %dma_wait3A_89] : memref<10000x8xf32, #tpu.memory_space<vmem_shared>> -> memref<10000x8xf32, #tpu.memory_space<vmem_shared>>
      tpu.wait_indirect_dma semaphore(%arg10 : memref<!tpu.dma_semaphore, #tpu.memory_space<semaphore_mem>>) src(%arg7 : memref<80x8xf32, #tpu.memory_space<vmem>>) dst(%dma_wait3A_90 : memref<10000x8xf32, #tpu.memory_space<vmem_shared>>)
      %mul3A_91 = arith.constant 5 : i32
      %mul3A_92 = arith.muli %add3A_30, %mul3A_91 : i32
      %add3A_93 = arith.constant 1 : i32
      %add3A_94 = arith.addi %mul3A_92, %add3A_93 : i32
      %mul3A_95 = arith.constant 80 : i32
      %mul3A_96 = arith.muli %add3A_94, %mul3A_95 : i32
      %dma_wait3A_97 = tpu.memref_slice %arg6[%mul3A_96] : memref<10000xi32, #tpu.memory_space<vmem>> -> memref<80xi32, #tpu.memory_space<vmem>>
      %dma_wait3A_98 = arith.constant 0 : i32
      %dma_wait3A_99 = arith.constant 0 : i32
      %dma_wait3A_100 = tpu.memref_slice %arg8[%dma_wait3A_98, %dma_wait3A_99] : memref<10000x8xf32, #tpu.memory_space<vmem_shared>> -> memref<10000x8xf32, #tpu.memory_space<vmem_shared>>
      tpu.wait_indirect_dma semaphore(%arg10 : memref<!tpu.dma_semaphore, #tpu.memory_space<semaphore_mem>>) src(%arg7 : memref<80x8xf32, #tpu.memory_space<vmem>>) dst(%dma_wait3A_100 : memref<10000x8xf32, #tpu.memory_space<vmem_shared>>)
      %mul3A_101 = arith.constant 5 : i32
      %mul3A_102 = arith.muli %add3A_30, %mul3A_101 : i32
      %add3A_103 = arith.constant 2 : i32
      %add3A_104 = arith.addi %mul3A_102, %add3A_103 : i32
      %mul3A_105 = arith.constant 80 : i32
      %mul3A_106 = arith.muli %add3A_104, %mul3A_105 : i32
      %dma_wait3A_107 = tpu.memref_slice %arg6[%mul3A_106] : memref<10000xi32, #tpu.memory_space<vmem>> -> memref<80xi32, #tpu.memory_space<vmem>>
      %dma_wait3A_108 = arith.constant 0 : i32
      %dma_wait3A_109 = arith.constant 0 : i32
      %dma_wait3A_110 = tpu.memref_slice %arg8[%dma_wait3A_108, %dma_wait3A_109] : memref<10000x8xf32, #tpu.memory_space<vmem_shared>> -> memref<10000x8xf32, #tpu.memory_space<vmem_shared>>
      tpu.wait_indirect_dma semaphore(%arg10 : memref<!tpu.dma_semaphore, #tpu.memory_space<semaphore_mem>>) src(%arg7 : memref<80x8xf32, #tpu.memory_space<vmem>>) dst(%dma_wait3A_110 : memref<10000x8xf32, #tpu.memory_space<vmem_shared>>)
      %mul3A_111 = arith.constant 5 : i32
      %mul3A_112 = arith.muli %add3A_30, %mul3A_111 : i32
      %add3A_113 = arith.constant 3 : i32
      %add3A_114 = arith.addi %mul3A_112, %add3A_113 : i32
      %mul3A_115 = arith.constant 80 : i32
      %mul3A_116 = arith.muli %add3A_114, %mul3A_115 : i32
      %dma_wait3A_117 = tpu.memref_slice %arg6[%mul3A_116] : memref<10000xi32, #tpu.memory_space<vmem>> -> memref<80xi32, #tpu.memory_space<vmem>>
      %dma_wait3A_118 = arith.constant 0 : i32
      %dma_wait3A_119 = arith.constant 0 : i32
      %dma_wait3A_120 = tpu.memref_slice %arg8[%dma_wait3A_118, %dma_wait3A_119] : memref<10000x8xf32, #tpu.memory_space<vmem_shared>> -> memref<10000x8xf32, #tpu.memory_space<vmem_shared>>
      tpu.wait_indirect_dma semaphore(%arg10 : memref<!tpu.dma_semaphore, #tpu.memory_space<semaphore_mem>>) src(%arg7 : memref<80x8xf32, #tpu.memory_space<vmem>>) dst(%dma_wait3A_120 : memref<10000x8xf32, #tpu.memory_space<vmem_shared>>)
      %mul3A_121 = arith.constant 5 : i32
      %mul3A_122 = arith.muli %add3A_30, %mul3A_121 : i32
      %add3A_123 = arith.constant 4 : i32
      %add3A_124 = arith.addi %mul3A_122, %add3A_123 : i32
      %mul3A_125 = arith.constant 80 : i32
      %mul3A_126 = arith.muli %add3A_124, %mul3A_125 : i32
      %dma_wait3A_127 = tpu.memref_slice %arg6[%mul3A_126] : memref<10000xi32, #tpu.memory_space<vmem>> -> memref<80xi32, #tpu.memory_space<vmem>>
      %dma_wait3A_128 = arith.constant 0 : i32
      %dma_wait3A_129 = arith.constant 0 : i32
      %dma_wait3A_130 = tpu.memref_slice %arg8[%dma_wait3A_128, %dma_wait3A_129] : memref<10000x8xf32, #tpu.memory_space<vmem_shared>> -> memref<10000x8xf32, #tpu.memory_space<vmem_shared>>
      tpu.wait_indirect_dma semaphore(%arg10 : memref<!tpu.dma_semaphore, #tpu.memory_space<semaphore_mem>>) src(%arg7 : memref<80x8xf32, #tpu.memory_space<vmem>>) dst(%dma_wait3A_130 : memref<10000x8xf32, #tpu.memory_space<vmem_shared>>)
    }
    %scan3A_19 = arith.constant 25 : i32
    %barrier3A_20 = arith.constant 0 : index
    tpu.barrier barrier_id(%barrier3A_20)
    "tpu.region"() ({
      %run_scoped3A = tpu.sem_alloc : memref<!tpu.dma_semaphore, #tpu.memory_space<semaphore_mem>>
      %dma_start3A_26 = arith.constant 0 : i32
      %dma_start3A_27 = tpu.memref_slice %arg5[%arg0, %multiple_of3A_5, %dma_start3A_26] : memref<2x10000x8xf32, #tpu.memory_space<hbm>> -> memref<1x624x8xf32, #tpu.memory_space<hbm>>
      %dma_start3A_28 = tpu.memref_squeeze %dma_start3A_27 : memref<1x624x8xf32, #tpu.memory_space<hbm>> -> memref<624x8xf32, #tpu.memory_space<hbm>>
      %dma_start3A_29 = arith.constant 0 : i32
      %dma_start3A_30 = tpu.memref_slice %arg8[%multiple_of3A_5, %dma_start3A_29] : memref<10000x8xf32, #tpu.memory_space<vmem_shared>> -> memref<624x8xf32, #tpu.memory_space<vmem_shared>>
      tpu.enqueue_dma source(%dma_start3A_30 : memref<624x8xf32, #tpu.memory_space<vmem_shared>>) target(%dma_start3A_28 : memref<624x8xf32, #tpu.memory_space<hbm>>) target_semaphore(%run_scoped3A : memref<!tpu.dma_semaphore, #tpu.memory_space<semaphore_mem>>)
      %dma_wait3A_31 = arith.constant 0 : i32
      %dma_wait3A_32 = tpu.memref_slice %arg5[%arg0, %multiple_of3A_5, %dma_wait3A_31] : memref<2x10000x8xf32, #tpu.memory_space<hbm>> -> memref<1x624x8xf32, #tpu.memory_space<hbm>>
      %dma_wait3A_33 = tpu.memref_squeeze %dma_wait3A_32 : memref<1x624x8xf32, #tpu.memory_space<hbm>> -> memref<624x8xf32, #tpu.memory_space<hbm>>
      %dma_wait3A_34 = arith.constant 0 : i32
      %dma_wait3A_35 = tpu.memref_slice %arg8[%multiple_of3A_5, %dma_wait3A_34] : memref<10000x8xf32, #tpu.memory_space<vmem_shared>> -> memref<624x8xf32, #tpu.memory_space<vmem_shared>>
      tpu.wait_dma2 semaphore(%run_scoped3A : memref<!tpu.dma_semaphore, #tpu.memory_space<semaphore_mem>>) src(%dma_wait3A_35 : memref<624x8xf32, #tpu.memory_space<vmem_shared>>) dst(%dma_wait3A_33 : memref<624x8xf32, #tpu.memory_space<hbm>>)
      tpu.yield
    }) : () -> ()
    %eq3A_21 = arith.constant 15 : i32
    %eq3A_22 = arith.cmpi eq, %arg1, %eq3A_21 : i32
    %convert_element_type3A_23 = arith.extui %eq3A_22 : i1 to i32
    %cond3A_24 = arith.constant 0 : i32
    %cond3A_25 = arith.cmpi ne, %convert_element_type3A_23, %cond3A_24 : i32
    scf.if %cond3A_25 {
      "tpu.region"() ({
        %run_scoped3A = tpu.sem_alloc : memref<!tpu.dma_semaphore, #tpu.memory_space<semaphore_mem>>
        %dma_start3A_26 = arith.constant 9984 : i32
        %dma_start3A_27 = arith.constant 0 : i32
        %dma_start3A_28 = tpu.memref_slice %arg5[%arg0, %dma_start3A_26, %dma_start3A_27] : memref<2x10000x8xf32, #tpu.memory_space<hbm>> -> memref<1x16x8xf32, #tpu.memory_space<hbm>>
        %dma_start3A_29 = tpu.memref_squeeze %dma_start3A_28 : memref<1x16x8xf32, #tpu.memory_space<hbm>> -> memref<16x8xf32, #tpu.memory_space<hbm>>
        %dma_start3A_30 = arith.constant 9984 : i32
        %dma_start3A_31 = arith.constant 0 : i32
        %dma_start3A_32 = tpu.memref_slice %arg8[%dma_start3A_30, %dma_start3A_31] : memref<10000x8xf32, #tpu.memory_space<vmem_shared>> -> memref<16x8xf32, #tpu.memory_space<vmem_shared>>
        tpu.enqueue_dma source(%dma_start3A_32 : memref<16x8xf32, #tpu.memory_space<vmem_shared>>) target(%dma_start3A_29 : memref<16x8xf32, #tpu.memory_space<hbm>>) target_semaphore(%run_scoped3A : memref<!tpu.dma_semaphore, #tpu.memory_space<semaphore_mem>>)
        %dma_wait3A_33 = arith.constant 9984 : i32
        %dma_wait3A_34 = arith.constant 0 : i32
        %dma_wait3A_35 = tpu.memref_slice %arg5[%arg0, %dma_wait3A_33, %dma_wait3A_34] : memref<2x10000x8xf32, #tpu.memory_space<hbm>> -> memref<1x16x8xf32, #tpu.memory_space<hbm>>
        %dma_wait3A_36 = tpu.memref_squeeze %dma_wait3A_35 : memref<1x16x8xf32, #tpu.memory_space<hbm>> -> memref<16x8xf32, #tpu.memory_space<hbm>>
        %dma_wait3A_37 = arith.constant 9984 : i32
        %dma_wait3A_38 = arith.constant 0 : i32
        %dma_wait3A_39 = tpu.memref_slice %arg8[%dma_wait3A_37, %dma_wait3A_38] : memref<10000x8xf32, #tpu.memory_space<vmem_shared>> -> memref<16x8xf32, #tpu.memory_space<vmem_shared>>
        tpu.wait_dma2 semaphore(%run_scoped3A : memref<!tpu.dma_semaphore, #tpu.memory_space<semaphore_mem>>) src(%dma_wait3A_39 : memref<16x8xf32, #tpu.memory_space<vmem_shared>>) dst(%dma_wait3A_36 : memref<16x8xf32, #tpu.memory_space<hbm>>)
        tpu.yield
      }) : () -> ()
    } else {
    }
    return
  }
}

#map = affine_map<(d0, d1) -> (0, 0)>
#map1 = affine_map<(d0, d1) -> (0, 0, 0)>
module attributes {stable_mosaic.version = 14 : i64} {
  func.func @k(%arg0: i32, %arg1: i32, %arg2: memref<10000x128xf32, #tpu.memory_space<hbm>>, %arg3: memref<2x320000xi32, #tpu.memory_space<hbm>>, %arg4: memref<624x128xf32, #tpu.memory_space<hbm>>, %arg5: memref<2x10000x128xf32, #tpu.memory_space<hbm>>, %arg6: memref<10000xi32, #tpu.memory_space<vmem>>, %arg7: memref<10000xi32, #tpu.memory_space<vmem>>, %arg8: memref<3x80x128xf32, #tpu.memory_space<vmem>>, %arg9: memref<10000x128xf32, #tpu.memory_space<vmem_shared>>, %arg10: memref<!tpu.dma_semaphore, #tpu.memory_space<semaphore_mem>>, %arg11: memref<!tpu.dma_semaphore, #tpu.memory_space<semaphore_mem>>, %arg12: memref<6x!tpu.dma_semaphore, #tpu.memory_space<semaphore_mem>>) attributes {dimension_semantics = [#tpu.dimension_semantics<core_parallel>, #tpu.dimension_semantics<subcore_parallel>], iteration_bounds = array<i64: 2, 16>, scalar_prefetch = 0 : i64, scratch_operands = 7 : i64, tpu.core_type = #tpu.core_type<sc_vector_subcore>, window_params = [{transform_indices = #map}, {transform_indices = #map}, {transform_indices = #map}, {transform_indices = #map1}]} {
    %mul3A = arith.constant 2 : i32
    %mul3A_0 = arith.muli %arg1, %mul3A : i32
    %add3A = arith.addi %mul3A_0, %arg0 : i32
    %mul3A_1 = arith.constant 10000 : i32
    %mul3A_2 = arith.muli %add3A, %mul3A_1 : i32
    %multiple_of3A = tpu.assume_multiple %mul3A_2, 8 : i32
    %mul3A_3 = arith.constant 624 : i32
    %mul3A_4 = arith.muli %arg1, %mul3A_3 : i32
    %multiple_of3A_5 = tpu.assume_multiple %mul3A_4, 8 : i32
    %dma_start3A = arith.constant 0 : i32
    %dma_start3A_6 = tpu.memref_slice %arg3[%dma_start3A, %multiple_of3A] : memref<2x320000xi32, #tpu.memory_space<hbm>> -> memref<1x10000xi32, #tpu.memory_space<hbm>>
    %dma_start3A_7 = tpu.memref_squeeze %dma_start3A_6 : memref<1x10000xi32, #tpu.memory_space<hbm>> -> memref<10000xi32, #tpu.memory_space<hbm>>
    %dma_start3A_8 = tpu.memref_slice %arg3[%dma_start3A, %multiple_of3A] : memref<2x320000xi32, #tpu.memory_space<hbm>> -> memref<1x10000xi32, #tpu.memory_space<hbm>>
    %dma_start3A_9 = tpu.memref_squeeze %dma_start3A_8 : memref<1x10000xi32, #tpu.memory_space<hbm>> -> memref<10000xi32, #tpu.memory_space<hbm>>
    tpu.enqueue_dma source(%dma_start3A_9 : memref<10000xi32, #tpu.memory_space<hbm>>) target(%arg6 : memref<10000xi32, #tpu.memory_space<vmem>>) target_semaphore(%arg10 : memref<!tpu.dma_semaphore, #tpu.memory_space<semaphore_mem>>)
    %dma_start3A_10 = arith.constant 1 : i32
    %dma_start3A_11 = tpu.memref_slice %arg3[%dma_start3A_10, %multiple_of3A] : memref<2x320000xi32, #tpu.memory_space<hbm>> -> memref<1x10000xi32, #tpu.memory_space<hbm>>
    %dma_start3A_12 = tpu.memref_squeeze %dma_start3A_11 : memref<1x10000xi32, #tpu.memory_space<hbm>> -> memref<10000xi32, #tpu.memory_space<hbm>>
    %dma_start3A_13 = tpu.memref_slice %arg3[%dma_start3A_10, %multiple_of3A] : memref<2x320000xi32, #tpu.memory_space<hbm>> -> memref<1x10000xi32, #tpu.memory_space<hbm>>
    %dma_start3A_14 = tpu.memref_squeeze %dma_start3A_13 : memref<1x10000xi32, #tpu.memory_space<hbm>> -> memref<10000xi32, #tpu.memory_space<hbm>>
    tpu.enqueue_dma source(%dma_start3A_14 : memref<10000xi32, #tpu.memory_space<hbm>>) target(%arg7 : memref<10000xi32, #tpu.memory_space<vmem>>) target_semaphore(%arg11 : memref<!tpu.dma_semaphore, #tpu.memory_space<semaphore_mem>>)
    "tpu.region"() ({
      %run_scoped3A = tpu.sem_alloc : memref<!tpu.dma_semaphore, #tpu.memory_space<semaphore_mem>>
      %dma_start3A_36 = arith.constant 0 : i32
      %dma_start3A_37 = tpu.memref_slice %arg9[%multiple_of3A_5, %dma_start3A_36] : memref<10000x128xf32, #tpu.memory_space<vmem_shared>> -> memref<624x128xf32, #tpu.memory_space<vmem_shared>>
      tpu.enqueue_dma source(%arg4 : memref<624x128xf32, #tpu.memory_space<hbm>>) target(%dma_start3A_37 : memref<624x128xf32, #tpu.memory_space<vmem_shared>>) target_semaphore(%run_scoped3A : memref<!tpu.dma_semaphore, #tpu.memory_space<semaphore_mem>>)
      %dma_wait3A_38 = arith.constant 0 : i32
      %dma_wait3A_39 = tpu.memref_slice %arg9[%multiple_of3A_5, %dma_wait3A_38] : memref<10000x128xf32, #tpu.memory_space<vmem_shared>> -> memref<624x128xf32, #tpu.memory_space<vmem_shared>>
      tpu.wait_dma2 semaphore(%run_scoped3A : memref<!tpu.dma_semaphore, #tpu.memory_space<semaphore_mem>>) src(%arg4 : memref<624x128xf32, #tpu.memory_space<hbm>>) dst(%dma_wait3A_39 : memref<624x128xf32, #tpu.memory_space<vmem_shared>>)
      tpu.yield
    }) : () -> ()
    %eq3A = arith.constant 15 : i32
    %eq3A_15 = arith.cmpi eq, %arg1, %eq3A : i32
    %convert_element_type3A = arith.extui %eq3A_15 : i1 to i32
    %cond3A = arith.constant 0 : i32
    %cond3A_16 = arith.cmpi ne, %convert_element_type3A, %cond3A : i32
    scf.if %cond3A_16 {
      "tpu.region"() ({
        %run_scoped3A = tpu.sem_alloc : memref<!tpu.dma_semaphore, #tpu.memory_space<semaphore_mem>>
        %dma_start3A_36 = arith.constant 9984 : i32
        %dma_start3A_37 = arith.constant 0 : i32
        %dma_start3A_38 = tpu.memref_slice %arg9[%dma_start3A_36, %dma_start3A_37] : memref<10000x128xf32, #tpu.memory_space<vmem_shared>> -> memref<16x128xf32, #tpu.memory_space<vmem_shared>>
        %dma_start3A_39 = arith.constant 0 : i32
        %dma_start3A_40 = arith.constant 0 : i32
        %dma_start3A_41 = tpu.memref_slice %arg4[%dma_start3A_39, %dma_start3A_40] : memref<624x128xf32, #tpu.memory_space<hbm>> -> memref<16x128xf32, #tpu.memory_space<hbm>>
        tpu.enqueue_dma source(%dma_start3A_41 : memref<16x128xf32, #tpu.memory_space<hbm>>) target(%dma_start3A_38 : memref<16x128xf32, #tpu.memory_space<vmem_shared>>) target_semaphore(%run_scoped3A : memref<!tpu.dma_semaphore, #tpu.memory_space<semaphore_mem>>)
        %dma_wait3A_42 = arith.constant 9984 : i32
        %dma_wait3A_43 = arith.constant 0 : i32
        %dma_wait3A_44 = tpu.memref_slice %arg9[%dma_wait3A_42, %dma_wait3A_43] : memref<10000x128xf32, #tpu.memory_space<vmem_shared>> -> memref<16x128xf32, #tpu.memory_space<vmem_shared>>
        %dma_wait3A_45 = arith.constant 0 : i32
        %dma_wait3A_46 = arith.constant 0 : i32
        %dma_wait3A_47 = tpu.memref_slice %arg4[%dma_wait3A_45, %dma_wait3A_46] : memref<624x128xf32, #tpu.memory_space<hbm>> -> memref<16x128xf32, #tpu.memory_space<hbm>>
        tpu.wait_dma2 semaphore(%run_scoped3A : memref<!tpu.dma_semaphore, #tpu.memory_space<semaphore_mem>>) src(%dma_wait3A_47 : memref<16x128xf32, #tpu.memory_space<hbm>>) dst(%dma_wait3A_44 : memref<16x128xf32, #tpu.memory_space<vmem_shared>>)
        tpu.yield
      }) : () -> ()
    } else {
    }
    %dma_wait3A = arith.constant 0 : i32
    %dma_wait3A_17 = tpu.memref_slice %arg3[%dma_wait3A, %multiple_of3A] : memref<2x320000xi32, #tpu.memory_space<hbm>> -> memref<1x10000xi32, #tpu.memory_space<hbm>>
    %dma_wait3A_18 = tpu.memref_squeeze %dma_wait3A_17 : memref<1x10000xi32, #tpu.memory_space<hbm>> -> memref<10000xi32, #tpu.memory_space<hbm>>
    %dma_wait3A_19 = tpu.memref_slice %arg3[%dma_wait3A, %multiple_of3A] : memref<2x320000xi32, #tpu.memory_space<hbm>> -> memref<1x10000xi32, #tpu.memory_space<hbm>>
    %dma_wait3A_20 = tpu.memref_squeeze %dma_wait3A_19 : memref<1x10000xi32, #tpu.memory_space<hbm>> -> memref<10000xi32, #tpu.memory_space<hbm>>
    tpu.wait_dma2 semaphore(%arg10 : memref<!tpu.dma_semaphore, #tpu.memory_space<semaphore_mem>>) src(%dma_wait3A_20 : memref<10000xi32, #tpu.memory_space<hbm>>) dst(%arg6 : memref<10000xi32, #tpu.memory_space<vmem>>)
    %dma_wait3A_21 = arith.constant 1 : i32
    %dma_wait3A_22 = tpu.memref_slice %arg3[%dma_wait3A_21, %multiple_of3A] : memref<2x320000xi32, #tpu.memory_space<hbm>> -> memref<1x10000xi32, #tpu.memory_space<hbm>>
    %dma_wait3A_23 = tpu.memref_squeeze %dma_wait3A_22 : memref<1x10000xi32, #tpu.memory_space<hbm>> -> memref<10000xi32, #tpu.memory_space<hbm>>
    %dma_wait3A_24 = tpu.memref_slice %arg3[%dma_wait3A_21, %multiple_of3A] : memref<2x320000xi32, #tpu.memory_space<hbm>> -> memref<1x10000xi32, #tpu.memory_space<hbm>>
    %dma_wait3A_25 = tpu.memref_squeeze %dma_wait3A_24 : memref<1x10000xi32, #tpu.memory_space<hbm>> -> memref<10000xi32, #tpu.memory_space<hbm>>
    tpu.wait_dma2 semaphore(%arg11 : memref<!tpu.dma_semaphore, #tpu.memory_space<semaphore_mem>>) src(%dma_wait3A_25 : memref<10000xi32, #tpu.memory_space<hbm>>) dst(%arg7 : memref<10000xi32, #tpu.memory_space<vmem>>)
    %barrier3A = arith.constant 0 : index
    tpu.barrier barrier_id(%barrier3A)
    %scan3A = arith.constant 0 : i32
    %scan3A_26 = arith.constant 128 : i32
    %scan3A_27 = arith.addi %scan3A, %scan3A_26 : i32
    %scan3A_28 = arith.constant 1 : i32
    scf.for %scan3A_36 = %scan3A to %scan3A_27 step %scan3A_28  : i32 {
      %mul3A_37 = arith.constant 1 : i32
      %mul3A_38 = arith.muli %scan3A_36, %mul3A_37 : i32
      %add3A_39 = arith.constant 0 : i32
      %add3A_40 = arith.addi %add3A_39, %mul3A_38 : i32
      %rem3A = arith.constant 3 : i32
      %rem3A_41 = arith.remsi %add3A_40, %rem3A : i32
      %add3A_42 = arith.constant 3 : i32
      %add3A_43 = arith.addi %add3A_40, %add3A_42 : i32
      %sub3A = arith.constant 1 : i32
      %sub3A_44 = arith.subi %add3A_43, %sub3A : i32
      %rem3A_45 = arith.constant 3 : i32
      %rem3A_46 = arith.remsi %sub3A_44, %rem3A_45 : i32
      %ge3A = arith.constant 3 : i32
      %ge3A_47 = arith.cmpi sge, %add3A_40, %ge3A : i32
      %convert_element_type3A_48 = arith.extui %ge3A_47 : i1 to i32
      %cond3A_49 = arith.constant 0 : i32
      %cond3A_50 = arith.cmpi ne, %convert_element_type3A_48, %cond3A_49 : i32
      scf.if %cond3A_50 {
        %sub3A_61 = arith.constant 3 : i32
        %sub3A_62 = arith.subi %add3A_40, %sub3A_61 : i32
        %mul3A_63 = arith.constant 80 : i32
        %mul3A_64 = arith.muli %sub3A_62, %mul3A_63 : i32
        %dma_wait3A_65 = arith.constant 0 : i32
        %dma_wait3A_66 = arith.constant 0 : i32
        %dma_wait3A_67 = tpu.memref_slice %arg8[%rem3A_41, %dma_wait3A_65, %dma_wait3A_66] : memref<3x80x128xf32, #tpu.memory_space<vmem>> -> memref<1x80x128xf32, #tpu.memory_space<vmem>>
        %dma_wait3A_68 = tpu.memref_squeeze %dma_wait3A_67 : memref<1x80x128xf32, #tpu.memory_space<vmem>> -> memref<80x128xf32, #tpu.memory_space<vmem>>
        %dma_wait3A_69 = tpu.memref_slice %arg7[%mul3A_64] : memref<10000xi32, #tpu.memory_space<vmem>> -> memref<80xi32, #tpu.memory_space<vmem>>
        %dma_wait3A_70 = arith.constant 0 : i32
        %dma_wait3A_71 = arith.constant 0 : i32
        %dma_wait3A_72 = tpu.memref_slice %arg9[%dma_wait3A_70, %dma_wait3A_71] : memref<10000x128xf32, #tpu.memory_space<vmem_shared>> -> memref<10000x128xf32, #tpu.memory_space<vmem_shared>>
        %dma_wait3A_73 = arith.constant 3 : i32
        %dma_wait3A_74 = tpu.memref_slice %arg12[%dma_wait3A_73] : memref<6x!tpu.dma_semaphore, #tpu.memory_space<semaphore_mem>> -> memref<3x!tpu.dma_semaphore, #tpu.memory_space<semaphore_mem>>
        %dma_wait3A_75 = tpu.memref_slice %dma_wait3A_74[%rem3A_41] : memref<3x!tpu.dma_semaphore, #tpu.memory_space<semaphore_mem>> -> memref<1x!tpu.dma_semaphore, #tpu.memory_space<semaphore_mem>>
        %dma_wait3A_76 = tpu.memref_squeeze %dma_wait3A_75 : memref<1x!tpu.dma_semaphore, #tpu.memory_space<semaphore_mem>> -> memref<!tpu.dma_semaphore, #tpu.memory_space<semaphore_mem>>
        tpu.wait_indirect_dma semaphore(%dma_wait3A_76 : memref<!tpu.dma_semaphore, #tpu.memory_space<semaphore_mem>>) src(%dma_wait3A_68 : memref<80x128xf32, #tpu.memory_space<vmem>>) dst(%dma_wait3A_72 : memref<10000x128xf32, #tpu.memory_space<vmem_shared>>)
      } else {
      }
      %lt3A = arith.constant 125 : i32
      %lt3A_51 = arith.cmpi slt, %add3A_40, %lt3A : i32
      %convert_element_type3A_52 = arith.extui %lt3A_51 : i1 to i32
      %cond3A_53 = arith.constant 0 : i32
      %cond3A_54 = arith.cmpi ne, %convert_element_type3A_52, %cond3A_53 : i32
      scf.if %cond3A_54 {
        %mul3A_61 = arith.constant 80 : i32
        %mul3A_62 = arith.muli %add3A_40, %mul3A_61 : i32
        %dma_start3A_63 = arith.constant 0 : i32
        %dma_start3A_64 = arith.constant 0 : i32
        %dma_start3A_65 = tpu.memref_slice %arg8[%rem3A_41, %dma_start3A_63, %dma_start3A_64] : memref<3x80x128xf32, #tpu.memory_space<vmem>> -> memref<1x80x128xf32, #tpu.memory_space<vmem>>
        %dma_start3A_66 = tpu.memref_squeeze %dma_start3A_65 : memref<1x80x128xf32, #tpu.memory_space<vmem>> -> memref<80x128xf32, #tpu.memory_space<vmem>>
        %dma_start3A_67 = tpu.memref_slice %arg6[%mul3A_62] : memref<10000xi32, #tpu.memory_space<vmem>> -> memref<80xi32, #tpu.memory_space<vmem>>
        %dma_start3A_68 = arith.constant 0 : i32
        %dma_start3A_69 = arith.constant 0 : i32
        %dma_start3A_70 = tpu.memref_slice %arg2[%dma_start3A_68, %dma_start3A_69] : memref<10000x128xf32, #tpu.memory_space<hbm>> -> memref<10000x128xf32, #tpu.memory_space<hbm>>
        %dma_start3A_71 = arith.constant 0 : i32
        %dma_start3A_72 = tpu.memref_slice %arg12[%dma_start3A_71] : memref<6x!tpu.dma_semaphore, #tpu.memory_space<semaphore_mem>> -> memref<3x!tpu.dma_semaphore, #tpu.memory_space<semaphore_mem>>
        %dma_start3A_73 = tpu.memref_slice %dma_start3A_72[%rem3A_41] : memref<3x!tpu.dma_semaphore, #tpu.memory_space<semaphore_mem>> -> memref<1x!tpu.dma_semaphore, #tpu.memory_space<semaphore_mem>>
        %dma_start3A_74 = tpu.memref_squeeze %dma_start3A_73 : memref<1x!tpu.dma_semaphore, #tpu.memory_space<semaphore_mem>> -> memref<!tpu.dma_semaphore, #tpu.memory_space<semaphore_mem>>
        tpu.enqueue_indirect_dma source(%dma_start3A_70 : memref<10000x128xf32, #tpu.memory_space<hbm>>) target(%dma_start3A_66 : memref<80x128xf32, #tpu.memory_space<vmem>>) offsets(%dma_start3A_67 : memref<80xi32, #tpu.memory_space<vmem>>) semaphore(%dma_start3A_74 : memref<!tpu.dma_semaphore, #tpu.memory_space<semaphore_mem>>)
      } else {
      }
      %ge3A_55 = arith.constant 1 : i32
      %ge3A_56 = arith.cmpi sge, %add3A_40, %ge3A_55 : i32
      %le3A = arith.constant 125 : i32
      %le3A_57 = arith.cmpi sle, %add3A_40, %le3A : i32
      %and3A = arith.andi %ge3A_56, %le3A_57 : i1
      %convert_element_type3A_58 = arith.extui %and3A : i1 to i32
      %cond3A_59 = arith.constant 0 : i32
      %cond3A_60 = arith.cmpi ne, %convert_element_type3A_58, %cond3A_59 : i32
      scf.if %cond3A_60 {
        %sub3A_61 = arith.constant 1 : i32
        %sub3A_62 = arith.subi %add3A_40, %sub3A_61 : i32
        %mul3A_63 = arith.constant 80 : i32
        %mul3A_64 = arith.muli %sub3A_62, %mul3A_63 : i32
        %dma_wait3A_65 = arith.constant 0 : i32
        %dma_wait3A_66 = arith.constant 0 : i32
        %dma_wait3A_67 = tpu.memref_slice %arg8[%rem3A_46, %dma_wait3A_65, %dma_wait3A_66] : memref<3x80x128xf32, #tpu.memory_space<vmem>> -> memref<1x80x128xf32, #tpu.memory_space<vmem>>
        %dma_wait3A_68 = tpu.memref_squeeze %dma_wait3A_67 : memref<1x80x128xf32, #tpu.memory_space<vmem>> -> memref<80x128xf32, #tpu.memory_space<vmem>>
        %dma_wait3A_69 = tpu.memref_slice %arg6[%mul3A_64] : memref<10000xi32, #tpu.memory_space<vmem>> -> memref<80xi32, #tpu.memory_space<vmem>>
        %dma_wait3A_70 = arith.constant 0 : i32
        %dma_wait3A_71 = arith.constant 0 : i32
        %dma_wait3A_72 = tpu.memref_slice %arg2[%dma_wait3A_70, %dma_wait3A_71] : memref<10000x128xf32, #tpu.memory_space<hbm>> -> memref<10000x128xf32, #tpu.memory_space<hbm>>
        %dma_wait3A_73 = arith.constant 0 : i32
        %dma_wait3A_74 = tpu.memref_slice %arg12[%dma_wait3A_73] : memref<6x!tpu.dma_semaphore, #tpu.memory_space<semaphore_mem>> -> memref<3x!tpu.dma_semaphore, #tpu.memory_space<semaphore_mem>>
        %dma_wait3A_75 = tpu.memref_slice %dma_wait3A_74[%rem3A_46] : memref<3x!tpu.dma_semaphore, #tpu.memory_space<semaphore_mem>> -> memref<1x!tpu.dma_semaphore, #tpu.memory_space<semaphore_mem>>
        %dma_wait3A_76 = tpu.memref_squeeze %dma_wait3A_75 : memref<1x!tpu.dma_semaphore, #tpu.memory_space<semaphore_mem>> -> memref<!tpu.dma_semaphore, #tpu.memory_space<semaphore_mem>>
        tpu.wait_indirect_dma semaphore(%dma_wait3A_76 : memref<!tpu.dma_semaphore, #tpu.memory_space<semaphore_mem>>) src(%dma_wait3A_72 : memref<10000x128xf32, #tpu.memory_space<hbm>>) dst(%dma_wait3A_68 : memref<80x128xf32, #tpu.memory_space<vmem>>)
        %sub3A_77 = arith.constant 1 : i32
        %sub3A_78 = arith.subi %add3A_40, %sub3A_77 : i32
        %mul3A_79 = arith.constant 80 : i32
        %mul3A_80 = arith.muli %sub3A_78, %mul3A_79 : i32
        %dma_start3A_81 = arith.constant 0 : i32
        %dma_start3A_82 = arith.constant 0 : i32
        %dma_start3A_83 = tpu.memref_slice %arg8[%rem3A_46, %dma_start3A_81, %dma_start3A_82] : memref<3x80x128xf32, #tpu.memory_space<vmem>> -> memref<1x80x128xf32, #tpu.memory_space<vmem>>
        %dma_start3A_84 = tpu.memref_squeeze %dma_start3A_83 : memref<1x80x128xf32, #tpu.memory_space<vmem>> -> memref<80x128xf32, #tpu.memory_space<vmem>>
        %dma_start3A_85 = tpu.memref_slice %arg7[%mul3A_80] : memref<10000xi32, #tpu.memory_space<vmem>> -> memref<80xi32, #tpu.memory_space<vmem>>
        %dma_start3A_86 = arith.constant 0 : i32
        %dma_start3A_87 = arith.constant 0 : i32
        %dma_start3A_88 = tpu.memref_slice %arg9[%dma_start3A_86, %dma_start3A_87] : memref<10000x128xf32, #tpu.memory_space<vmem_shared>> -> memref<10000x128xf32, #tpu.memory_space<vmem_shared>>
        %dma_start3A_89 = arith.constant 3 : i32
        %dma_start3A_90 = tpu.memref_slice %arg12[%dma_start3A_89] : memref<6x!tpu.dma_semaphore, #tpu.memory_space<semaphore_mem>> -> memref<3x!tpu.dma_semaphore, #tpu.memory_space<semaphore_mem>>
        %dma_start3A_91 = tpu.memref_slice %dma_start3A_90[%rem3A_46] : memref<3x!tpu.dma_semaphore, #tpu.memory_space<semaphore_mem>> -> memref<1x!tpu.dma_semaphore, #tpu.memory_space<semaphore_mem>>
        %dma_start3A_92 = tpu.memref_squeeze %dma_start3A_91 : memref<1x!tpu.dma_semaphore, #tpu.memory_space<semaphore_mem>> -> memref<!tpu.dma_semaphore, #tpu.memory_space<semaphore_mem>>
        tpu.enqueue_indirect_dma source(%dma_start3A_84 : memref<80x128xf32, #tpu.memory_space<vmem>>) target(%dma_start3A_88 : memref<10000x128xf32, #tpu.memory_space<vmem_shared>>) offsets(%dma_start3A_85 : memref<80xi32, #tpu.memory_space<vmem>>) semaphore(%dma_start3A_92 : memref<!tpu.dma_semaphore, #tpu.memory_space<semaphore_mem>>) {add = true}
      } else {
      }
    }
    %scan3A_29 = arith.constant 128 : i32
    %barrier3A_30 = arith.constant 0 : index
    tpu.barrier barrier_id(%barrier3A_30)
    "tpu.region"() ({
      %run_scoped3A = tpu.sem_alloc : memref<!tpu.dma_semaphore, #tpu.memory_space<semaphore_mem>>
      %dma_start3A_36 = arith.constant 0 : i32
      %dma_start3A_37 = tpu.memref_slice %arg5[%arg0, %multiple_of3A_5, %dma_start3A_36] : memref<2x10000x128xf32, #tpu.memory_space<hbm>> -> memref<1x624x128xf32, #tpu.memory_space<hbm>>
      %dma_start3A_38 = tpu.memref_squeeze %dma_start3A_37 : memref<1x624x128xf32, #tpu.memory_space<hbm>> -> memref<624x128xf32, #tpu.memory_space<hbm>>
      %dma_start3A_39 = arith.constant 0 : i32
      %dma_start3A_40 = tpu.memref_slice %arg9[%multiple_of3A_5, %dma_start3A_39] : memref<10000x128xf32, #tpu.memory_space<vmem_shared>> -> memref<624x128xf32, #tpu.memory_space<vmem_shared>>
      tpu.enqueue_dma source(%dma_start3A_40 : memref<624x128xf32, #tpu.memory_space<vmem_shared>>) target(%dma_start3A_38 : memref<624x128xf32, #tpu.memory_space<hbm>>) target_semaphore(%run_scoped3A : memref<!tpu.dma_semaphore, #tpu.memory_space<semaphore_mem>>)
      %dma_wait3A_41 = arith.constant 0 : i32
      %dma_wait3A_42 = tpu.memref_slice %arg5[%arg0, %multiple_of3A_5, %dma_wait3A_41] : memref<2x10000x128xf32, #tpu.memory_space<hbm>> -> memref<1x624x128xf32, #tpu.memory_space<hbm>>
      %dma_wait3A_43 = tpu.memref_squeeze %dma_wait3A_42 : memref<1x624x128xf32, #tpu.memory_space<hbm>> -> memref<624x128xf32, #tpu.memory_space<hbm>>
      %dma_wait3A_44 = arith.constant 0 : i32
      %dma_wait3A_45 = tpu.memref_slice %arg9[%multiple_of3A_5, %dma_wait3A_44] : memref<10000x128xf32, #tpu.memory_space<vmem_shared>> -> memref<624x128xf32, #tpu.memory_space<vmem_shared>>
      tpu.wait_dma2 semaphore(%run_scoped3A : memref<!tpu.dma_semaphore, #tpu.memory_space<semaphore_mem>>) src(%dma_wait3A_45 : memref<624x128xf32, #tpu.memory_space<vmem_shared>>) dst(%dma_wait3A_43 : memref<624x128xf32, #tpu.memory_space<hbm>>)
      tpu.yield
    }) : () -> ()
    %eq3A_31 = arith.constant 15 : i32
    %eq3A_32 = arith.cmpi eq, %arg1, %eq3A_31 : i32
    %convert_element_type3A_33 = arith.extui %eq3A_32 : i1 to i32
    %cond3A_34 = arith.constant 0 : i32
    %cond3A_35 = arith.cmpi ne, %convert_element_type3A_33, %cond3A_34 : i32
    scf.if %cond3A_35 {
      "tpu.region"() ({
        %run_scoped3A = tpu.sem_alloc : memref<!tpu.dma_semaphore, #tpu.memory_space<semaphore_mem>>
        %dma_start3A_36 = arith.constant 9984 : i32
        %dma_start3A_37 = arith.constant 0 : i32
        %dma_start3A_38 = tpu.memref_slice %arg5[%arg0, %dma_start3A_36, %dma_start3A_37] : memref<2x10000x128xf32, #tpu.memory_space<hbm>> -> memref<1x16x128xf32, #tpu.memory_space<hbm>>
        %dma_start3A_39 = tpu.memref_squeeze %dma_start3A_38 : memref<1x16x128xf32, #tpu.memory_space<hbm>> -> memref<16x128xf32, #tpu.memory_space<hbm>>
        %dma_start3A_40 = arith.constant 9984 : i32
        %dma_start3A_41 = arith.constant 0 : i32
        %dma_start3A_42 = tpu.memref_slice %arg9[%dma_start3A_40, %dma_start3A_41] : memref<10000x128xf32, #tpu.memory_space<vmem_shared>> -> memref<16x128xf32, #tpu.memory_space<vmem_shared>>
        tpu.enqueue_dma source(%dma_start3A_42 : memref<16x128xf32, #tpu.memory_space<vmem_shared>>) target(%dma_start3A_39 : memref<16x128xf32, #tpu.memory_space<hbm>>) target_semaphore(%run_scoped3A : memref<!tpu.dma_semaphore, #tpu.memory_space<semaphore_mem>>)
        %dma_wait3A_43 = arith.constant 9984 : i32
        %dma_wait3A_44 = arith.constant 0 : i32
        %dma_wait3A_45 = tpu.memref_slice %arg5[%arg0, %dma_wait3A_43, %dma_wait3A_44] : memref<2x10000x128xf32, #tpu.memory_space<hbm>> -> memref<1x16x128xf32, #tpu.memory_space<hbm>>
        %dma_wait3A_46 = tpu.memref_squeeze %dma_wait3A_45 : memref<1x16x128xf32, #tpu.memory_space<hbm>> -> memref<16x128xf32, #tpu.memory_space<hbm>>
        %dma_wait3A_47 = arith.constant 9984 : i32
        %dma_wait3A_48 = arith.constant 0 : i32
        %dma_wait3A_49 = tpu.memref_slice %arg9[%dma_wait3A_47, %dma_wait3A_48] : memref<10000x128xf32, #tpu.memory_space<vmem_shared>> -> memref<16x128xf32, #tpu.memory_space<vmem_shared>>
        tpu.wait_dma2 semaphore(%run_scoped3A : memref<!tpu.dma_semaphore, #tpu.memory_space<semaphore_mem>>) src(%dma_wait3A_49 : memref<16x128xf32, #tpu.memory_space<vmem_shared>>) dst(%dma_wait3A_46 : memref<16x128xf32, #tpu.memory_space<hbm>>)
        tpu.yield
      }) : () -> ()
    } else {
    }
    return
  }
}

#map = affine_map<(d0, d1) -> (0, 0)>
#map1 = affine_map<(d0, d1) -> (0, 0, 0)>
module attributes {stable_mosaic.version = 14 : i64} {
  func.func @k(%arg0: i32, %arg1: i32, %arg2: memref<10000x128xf32, #tpu.memory_space<hbm>>, %arg3: memref<2x320000xi32, #tpu.memory_space<hbm>>, %arg4: memref<624x128xf32, #tpu.memory_space<hbm>>, %arg5: memref<2x10000x128xf32, #tpu.memory_space<hbm>>, %arg6: memref<10000xi32, #tpu.memory_space<vmem>>, %arg7: memref<10000xi32, #tpu.memory_space<vmem>>, %arg8: memref<3x80x128xf32, #tpu.memory_space<vmem>>, %arg9: memref<10000x128xf32, #tpu.memory_space<vmem_shared>>, %arg10: memref<!tpu.dma_semaphore, #tpu.memory_space<semaphore_mem>>, %arg11: memref<!tpu.dma_semaphore, #tpu.memory_space<semaphore_mem>>, %arg12: memref<6x!tpu.dma_semaphore, #tpu.memory_space<semaphore_mem>>) attributes {dimension_semantics = [#tpu.dimension_semantics<core_parallel>, #tpu.dimension_semantics<subcore_parallel>], iteration_bounds = array<i64: 2, 16>, scalar_prefetch = 0 : i64, scratch_operands = 7 : i64, tpu.core_type = #tpu.core_type<sc_vector_subcore>, window_params = [{transform_indices = #map}, {transform_indices = #map}, {transform_indices = #map}, {transform_indices = #map1}]} {
    %mul3A = arith.constant 2 : i32
    %mul3A_0 = arith.muli %arg1, %mul3A : i32
    %add3A = arith.addi %mul3A_0, %arg0 : i32
    %mul3A_1 = arith.constant 10000 : i32
    %mul3A_2 = arith.muli %add3A, %mul3A_1 : i32
    %multiple_of3A = tpu.assume_multiple %mul3A_2, 8 : i32
    %mul3A_3 = arith.constant 624 : i32
    %mul3A_4 = arith.muli %arg1, %mul3A_3 : i32
    %multiple_of3A_5 = tpu.assume_multiple %mul3A_4, 8 : i32
    %dma_start3A = arith.constant 0 : i32
    %dma_start3A_6 = tpu.memref_slice %arg3[%dma_start3A, %multiple_of3A] : memref<2x320000xi32, #tpu.memory_space<hbm>> -> memref<1x10000xi32, #tpu.memory_space<hbm>>
    %dma_start3A_7 = tpu.memref_squeeze %dma_start3A_6 : memref<1x10000xi32, #tpu.memory_space<hbm>> -> memref<10000xi32, #tpu.memory_space<hbm>>
    %dma_start3A_8 = tpu.memref_slice %arg3[%dma_start3A, %multiple_of3A] : memref<2x320000xi32, #tpu.memory_space<hbm>> -> memref<1x10000xi32, #tpu.memory_space<hbm>>
    %dma_start3A_9 = tpu.memref_squeeze %dma_start3A_8 : memref<1x10000xi32, #tpu.memory_space<hbm>> -> memref<10000xi32, #tpu.memory_space<hbm>>
    tpu.enqueue_dma source(%dma_start3A_9 : memref<10000xi32, #tpu.memory_space<hbm>>) target(%arg6 : memref<10000xi32, #tpu.memory_space<vmem>>) target_semaphore(%arg10 : memref<!tpu.dma_semaphore, #tpu.memory_space<semaphore_mem>>)
    %dma_start3A_10 = arith.constant 1 : i32
    %dma_start3A_11 = tpu.memref_slice %arg3[%dma_start3A_10, %multiple_of3A] : memref<2x320000xi32, #tpu.memory_space<hbm>> -> memref<1x10000xi32, #tpu.memory_space<hbm>>
    %dma_start3A_12 = tpu.memref_squeeze %dma_start3A_11 : memref<1x10000xi32, #tpu.memory_space<hbm>> -> memref<10000xi32, #tpu.memory_space<hbm>>
    %dma_start3A_13 = tpu.memref_slice %arg3[%dma_start3A_10, %multiple_of3A] : memref<2x320000xi32, #tpu.memory_space<hbm>> -> memref<1x10000xi32, #tpu.memory_space<hbm>>
    %dma_start3A_14 = tpu.memref_squeeze %dma_start3A_13 : memref<1x10000xi32, #tpu.memory_space<hbm>> -> memref<10000xi32, #tpu.memory_space<hbm>>
    tpu.enqueue_dma source(%dma_start3A_14 : memref<10000xi32, #tpu.memory_space<hbm>>) target(%arg7 : memref<10000xi32, #tpu.memory_space<vmem>>) target_semaphore(%arg11 : memref<!tpu.dma_semaphore, #tpu.memory_space<semaphore_mem>>)
    "tpu.region"() ({
      %run_scoped3A = tpu.sem_alloc : memref<!tpu.dma_semaphore, #tpu.memory_space<semaphore_mem>>
      %dma_start3A_36 = arith.constant 0 : i32
      %dma_start3A_37 = tpu.memref_slice %arg9[%multiple_of3A_5, %dma_start3A_36] : memref<10000x128xf32, #tpu.memory_space<vmem_shared>> -> memref<624x128xf32, #tpu.memory_space<vmem_shared>>
      tpu.enqueue_dma source(%arg4 : memref<624x128xf32, #tpu.memory_space<hbm>>) target(%dma_start3A_37 : memref<624x128xf32, #tpu.memory_space<vmem_shared>>) target_semaphore(%run_scoped3A : memref<!tpu.dma_semaphore, #tpu.memory_space<semaphore_mem>>)
      %dma_wait3A_38 = arith.constant 0 : i32
      %dma_wait3A_39 = tpu.memref_slice %arg9[%multiple_of3A_5, %dma_wait3A_38] : memref<10000x128xf32, #tpu.memory_space<vmem_shared>> -> memref<624x128xf32, #tpu.memory_space<vmem_shared>>
      tpu.wait_dma2 semaphore(%run_scoped3A : memref<!tpu.dma_semaphore, #tpu.memory_space<semaphore_mem>>) src(%arg4 : memref<624x128xf32, #tpu.memory_space<hbm>>) dst(%dma_wait3A_39 : memref<624x128xf32, #tpu.memory_space<vmem_shared>>)
      tpu.yield
    }) : () -> ()
    %eq3A = arith.constant 15 : i32
    %eq3A_15 = arith.cmpi eq, %arg1, %eq3A : i32
    %convert_element_type3A = arith.extui %eq3A_15 : i1 to i32
    %cond3A = arith.constant 0 : i32
    %cond3A_16 = arith.cmpi ne, %convert_element_type3A, %cond3A : i32
    scf.if %cond3A_16 {
      "tpu.region"() ({
        %run_scoped3A = tpu.sem_alloc : memref<!tpu.dma_semaphore, #tpu.memory_space<semaphore_mem>>
        %dma_start3A_36 = arith.constant 9984 : i32
        %dma_start3A_37 = arith.constant 0 : i32
        %dma_start3A_38 = tpu.memref_slice %arg9[%dma_start3A_36, %dma_start3A_37] : memref<10000x128xf32, #tpu.memory_space<vmem_shared>> -> memref<16x128xf32, #tpu.memory_space<vmem_shared>>
        %dma_start3A_39 = arith.constant 0 : i32
        %dma_start3A_40 = arith.constant 0 : i32
        %dma_start3A_41 = tpu.memref_slice %arg4[%dma_start3A_39, %dma_start3A_40] : memref<624x128xf32, #tpu.memory_space<hbm>> -> memref<16x128xf32, #tpu.memory_space<hbm>>
        tpu.enqueue_dma source(%dma_start3A_41 : memref<16x128xf32, #tpu.memory_space<hbm>>) target(%dma_start3A_38 : memref<16x128xf32, #tpu.memory_space<vmem_shared>>) target_semaphore(%run_scoped3A : memref<!tpu.dma_semaphore, #tpu.memory_space<semaphore_mem>>)
        %dma_wait3A_42 = arith.constant 9984 : i32
        %dma_wait3A_43 = arith.constant 0 : i32
        %dma_wait3A_44 = tpu.memref_slice %arg9[%dma_wait3A_42, %dma_wait3A_43] : memref<10000x128xf32, #tpu.memory_space<vmem_shared>> -> memref<16x128xf32, #tpu.memory_space<vmem_shared>>
        %dma_wait3A_45 = arith.constant 0 : i32
        %dma_wait3A_46 = arith.constant 0 : i32
        %dma_wait3A_47 = tpu.memref_slice %arg4[%dma_wait3A_45, %dma_wait3A_46] : memref<624x128xf32, #tpu.memory_space<hbm>> -> memref<16x128xf32, #tpu.memory_space<hbm>>
        tpu.wait_dma2 semaphore(%run_scoped3A : memref<!tpu.dma_semaphore, #tpu.memory_space<semaphore_mem>>) src(%dma_wait3A_47 : memref<16x128xf32, #tpu.memory_space<hbm>>) dst(%dma_wait3A_44 : memref<16x128xf32, #tpu.memory_space<vmem_shared>>)
        tpu.yield
      }) : () -> ()
    } else {
    }
    %dma_wait3A = arith.constant 0 : i32
    %dma_wait3A_17 = tpu.memref_slice %arg3[%dma_wait3A, %multiple_of3A] : memref<2x320000xi32, #tpu.memory_space<hbm>> -> memref<1x10000xi32, #tpu.memory_space<hbm>>
    %dma_wait3A_18 = tpu.memref_squeeze %dma_wait3A_17 : memref<1x10000xi32, #tpu.memory_space<hbm>> -> memref<10000xi32, #tpu.memory_space<hbm>>
    %dma_wait3A_19 = tpu.memref_slice %arg3[%dma_wait3A, %multiple_of3A] : memref<2x320000xi32, #tpu.memory_space<hbm>> -> memref<1x10000xi32, #tpu.memory_space<hbm>>
    %dma_wait3A_20 = tpu.memref_squeeze %dma_wait3A_19 : memref<1x10000xi32, #tpu.memory_space<hbm>> -> memref<10000xi32, #tpu.memory_space<hbm>>
    tpu.wait_dma2 semaphore(%arg10 : memref<!tpu.dma_semaphore, #tpu.memory_space<semaphore_mem>>) src(%dma_wait3A_20 : memref<10000xi32, #tpu.memory_space<hbm>>) dst(%arg6 : memref<10000xi32, #tpu.memory_space<vmem>>)
    %dma_wait3A_21 = arith.constant 1 : i32
    %dma_wait3A_22 = tpu.memref_slice %arg3[%dma_wait3A_21, %multiple_of3A] : memref<2x320000xi32, #tpu.memory_space<hbm>> -> memref<1x10000xi32, #tpu.memory_space<hbm>>
    %dma_wait3A_23 = tpu.memref_squeeze %dma_wait3A_22 : memref<1x10000xi32, #tpu.memory_space<hbm>> -> memref<10000xi32, #tpu.memory_space<hbm>>
    %dma_wait3A_24 = tpu.memref_slice %arg3[%dma_wait3A_21, %multiple_of3A] : memref<2x320000xi32, #tpu.memory_space<hbm>> -> memref<1x10000xi32, #tpu.memory_space<hbm>>
    %dma_wait3A_25 = tpu.memref_squeeze %dma_wait3A_24 : memref<1x10000xi32, #tpu.memory_space<hbm>> -> memref<10000xi32, #tpu.memory_space<hbm>>
    tpu.wait_dma2 semaphore(%arg11 : memref<!tpu.dma_semaphore, #tpu.memory_space<semaphore_mem>>) src(%dma_wait3A_25 : memref<10000xi32, #tpu.memory_space<hbm>>) dst(%arg7 : memref<10000xi32, #tpu.memory_space<vmem>>)
    %barrier3A = arith.constant 0 : index
    tpu.barrier barrier_id(%barrier3A)
    %scan3A = arith.constant 0 : i32
    %scan3A_26 = arith.constant 128 : i32
    %scan3A_27 = arith.addi %scan3A, %scan3A_26 : i32
    %scan3A_28 = arith.constant 1 : i32
    scf.for %scan3A_36 = %scan3A to %scan3A_27 step %scan3A_28  : i32 {
      %mul3A_37 = arith.constant 1 : i32
      %mul3A_38 = arith.muli %scan3A_36, %mul3A_37 : i32
      %add3A_39 = arith.constant 0 : i32
      %add3A_40 = arith.addi %add3A_39, %mul3A_38 : i32
      %rem3A = arith.constant 3 : i32
      %rem3A_41 = arith.remsi %add3A_40, %rem3A : i32
      %add3A_42 = arith.constant 3 : i32
      %add3A_43 = arith.addi %add3A_40, %add3A_42 : i32
      %sub3A = arith.constant 1 : i32
      %sub3A_44 = arith.subi %add3A_43, %sub3A : i32
      %rem3A_45 = arith.constant 3 : i32
      %rem3A_46 = arith.remsi %sub3A_44, %rem3A_45 : i32
      %ge3A = arith.constant 3 : i32
      %ge3A_47 = arith.cmpi sge, %add3A_40, %ge3A : i32
      %convert_element_type3A_48 = arith.extui %ge3A_47 : i1 to i32
      %cond3A_49 = arith.constant 0 : i32
      %cond3A_50 = arith.cmpi ne, %convert_element_type3A_48, %cond3A_49 : i32
      scf.if %cond3A_50 {
        %sub3A_61 = arith.constant 3 : i32
        %sub3A_62 = arith.subi %add3A_40, %sub3A_61 : i32
        %mul3A_63 = arith.constant 80 : i32
        %mul3A_64 = arith.muli %sub3A_62, %mul3A_63 : i32
        %dma_wait3A_65 = arith.constant 0 : i32
        %dma_wait3A_66 = arith.constant 0 : i32
        %dma_wait3A_67 = tpu.memref_slice %arg8[%rem3A_41, %dma_wait3A_65, %dma_wait3A_66] : memref<3x80x128xf32, #tpu.memory_space<vmem>> -> memref<1x80x128xf32, #tpu.memory_space<vmem>>
        %dma_wait3A_68 = tpu.memref_squeeze %dma_wait3A_67 : memref<1x80x128xf32, #tpu.memory_space<vmem>> -> memref<80x128xf32, #tpu.memory_space<vmem>>
        %dma_wait3A_69 = tpu.memref_slice %arg7[%mul3A_64] : memref<10000xi32, #tpu.memory_space<vmem>> -> memref<80xi32, #tpu.memory_space<vmem>>
        %dma_wait3A_70 = arith.constant 0 : i32
        %dma_wait3A_71 = arith.constant 0 : i32
        %dma_wait3A_72 = tpu.memref_slice %arg9[%dma_wait3A_70, %dma_wait3A_71] : memref<10000x128xf32, #tpu.memory_space<vmem_shared>> -> memref<10000x128xf32, #tpu.memory_space<vmem_shared>>
        %dma_wait3A_73 = arith.constant 3 : i32
        %dma_wait3A_74 = tpu.memref_slice %arg12[%dma_wait3A_73] : memref<6x!tpu.dma_semaphore, #tpu.memory_space<semaphore_mem>> -> memref<3x!tpu.dma_semaphore, #tpu.memory_space<semaphore_mem>>
        %dma_wait3A_75 = tpu.memref_slice %dma_wait3A_74[%rem3A_41] : memref<3x!tpu.dma_semaphore, #tpu.memory_space<semaphore_mem>> -> memref<1x!tpu.dma_semaphore, #tpu.memory_space<semaphore_mem>>
        %dma_wait3A_76 = tpu.memref_squeeze %dma_wait3A_75 : memref<1x!tpu.dma_semaphore, #tpu.memory_space<semaphore_mem>> -> memref<!tpu.dma_semaphore, #tpu.memory_space<semaphore_mem>>
        tpu.wait_indirect_dma semaphore(%dma_wait3A_76 : memref<!tpu.dma_semaphore, #tpu.memory_space<semaphore_mem>>) src(%dma_wait3A_68 : memref<80x128xf32, #tpu.memory_space<vmem>>) dst(%dma_wait3A_72 : memref<10000x128xf32, #tpu.memory_space<vmem_shared>>)
      } else {
      }
      %lt3A = arith.constant 125 : i32
      %lt3A_51 = arith.cmpi slt, %add3A_40, %lt3A : i32
      %convert_element_type3A_52 = arith.extui %lt3A_51 : i1 to i32
      %cond3A_53 = arith.constant 0 : i32
      %cond3A_54 = arith.cmpi ne, %convert_element_type3A_52, %cond3A_53 : i32
      scf.if %cond3A_54 {
        %mul3A_61 = arith.constant 80 : i32
        %mul3A_62 = arith.muli %add3A_40, %mul3A_61 : i32
        %dma_start3A_63 = arith.constant 0 : i32
        %dma_start3A_64 = arith.constant 0 : i32
        %dma_start3A_65 = tpu.memref_slice %arg8[%rem3A_41, %dma_start3A_63, %dma_start3A_64] : memref<3x80x128xf32, #tpu.memory_space<vmem>> -> memref<1x80x128xf32, #tpu.memory_space<vmem>>
        %dma_start3A_66 = tpu.memref_squeeze %dma_start3A_65 : memref<1x80x128xf32, #tpu.memory_space<vmem>> -> memref<80x128xf32, #tpu.memory_space<vmem>>
        %dma_start3A_67 = tpu.memref_slice %arg6[%mul3A_62] : memref<10000xi32, #tpu.memory_space<vmem>> -> memref<80xi32, #tpu.memory_space<vmem>>
        %dma_start3A_68 = arith.constant 0 : i32
        %dma_start3A_69 = arith.constant 0 : i32
        %dma_start3A_70 = tpu.memref_slice %arg2[%dma_start3A_68, %dma_start3A_69] : memref<10000x128xf32, #tpu.memory_space<hbm>> -> memref<10000x128xf32, #tpu.memory_space<hbm>>
        %dma_start3A_71 = arith.constant 0 : i32
        %dma_start3A_72 = tpu.memref_slice %arg12[%dma_start3A_71] : memref<6x!tpu.dma_semaphore, #tpu.memory_space<semaphore_mem>> -> memref<3x!tpu.dma_semaphore, #tpu.memory_space<semaphore_mem>>
        %dma_start3A_73 = tpu.memref_slice %dma_start3A_72[%rem3A_41] : memref<3x!tpu.dma_semaphore, #tpu.memory_space<semaphore_mem>> -> memref<1x!tpu.dma_semaphore, #tpu.memory_space<semaphore_mem>>
        %dma_start3A_74 = tpu.memref_squeeze %dma_start3A_73 : memref<1x!tpu.dma_semaphore, #tpu.memory_space<semaphore_mem>> -> memref<!tpu.dma_semaphore, #tpu.memory_space<semaphore_mem>>
        tpu.enqueue_indirect_dma source(%dma_start3A_70 : memref<10000x128xf32, #tpu.memory_space<hbm>>) target(%dma_start3A_66 : memref<80x128xf32, #tpu.memory_space<vmem>>) offsets(%dma_start3A_67 : memref<80xi32, #tpu.memory_space<vmem>>) semaphore(%dma_start3A_74 : memref<!tpu.dma_semaphore, #tpu.memory_space<semaphore_mem>>)
      } else {
      }
      %ge3A_55 = arith.constant 1 : i32
      %ge3A_56 = arith.cmpi sge, %add3A_40, %ge3A_55 : i32
      %le3A = arith.constant 125 : i32
      %le3A_57 = arith.cmpi sle, %add3A_40, %le3A : i32
      %and3A = arith.andi %ge3A_56, %le3A_57 : i1
      %convert_element_type3A_58 = arith.extui %and3A : i1 to i32
      %cond3A_59 = arith.constant 0 : i32
      %cond3A_60 = arith.cmpi ne, %convert_element_type3A_58, %cond3A_59 : i32
      scf.if %cond3A_60 {
        %sub3A_61 = arith.constant 1 : i32
        %sub3A_62 = arith.subi %add3A_40, %sub3A_61 : i32
        %mul3A_63 = arith.constant 80 : i32
        %mul3A_64 = arith.muli %sub3A_62, %mul3A_63 : i32
        %dma_wait3A_65 = arith.constant 0 : i32
        %dma_wait3A_66 = arith.constant 0 : i32
        %dma_wait3A_67 = tpu.memref_slice %arg8[%rem3A_46, %dma_wait3A_65, %dma_wait3A_66] : memref<3x80x128xf32, #tpu.memory_space<vmem>> -> memref<1x80x128xf32, #tpu.memory_space<vmem>>
        %dma_wait3A_68 = tpu.memref_squeeze %dma_wait3A_67 : memref<1x80x128xf32, #tpu.memory_space<vmem>> -> memref<80x128xf32, #tpu.memory_space<vmem>>
        %dma_wait3A_69 = tpu.memref_slice %arg6[%mul3A_64] : memref<10000xi32, #tpu.memory_space<vmem>> -> memref<80xi32, #tpu.memory_space<vmem>>
        %dma_wait3A_70 = arith.constant 0 : i32
        %dma_wait3A_71 = arith.constant 0 : i32
        %dma_wait3A_72 = tpu.memref_slice %arg2[%dma_wait3A_70, %dma_wait3A_71] : memref<10000x128xf32, #tpu.memory_space<hbm>> -> memref<10000x128xf32, #tpu.memory_space<hbm>>
        %dma_wait3A_73 = arith.constant 0 : i32
        %dma_wait3A_74 = tpu.memref_slice %arg12[%dma_wait3A_73] : memref<6x!tpu.dma_semaphore, #tpu.memory_space<semaphore_mem>> -> memref<3x!tpu.dma_semaphore, #tpu.memory_space<semaphore_mem>>
        %dma_wait3A_75 = tpu.memref_slice %dma_wait3A_74[%rem3A_46] : memref<3x!tpu.dma_semaphore, #tpu.memory_space<semaphore_mem>> -> memref<1x!tpu.dma_semaphore, #tpu.memory_space<semaphore_mem>>
        %dma_wait3A_76 = tpu.memref_squeeze %dma_wait3A_75 : memref<1x!tpu.dma_semaphore, #tpu.memory_space<semaphore_mem>> -> memref<!tpu.dma_semaphore, #tpu.memory_space<semaphore_mem>>
        tpu.wait_indirect_dma semaphore(%dma_wait3A_76 : memref<!tpu.dma_semaphore, #tpu.memory_space<semaphore_mem>>) src(%dma_wait3A_72 : memref<10000x128xf32, #tpu.memory_space<hbm>>) dst(%dma_wait3A_68 : memref<80x128xf32, #tpu.memory_space<vmem>>)
        %sub3A_77 = arith.constant 1 : i32
        %sub3A_78 = arith.subi %add3A_40, %sub3A_77 : i32
        %mul3A_79 = arith.constant 80 : i32
        %mul3A_80 = arith.muli %sub3A_78, %mul3A_79 : i32
        %dma_start3A_81 = arith.constant 0 : i32
        %dma_start3A_82 = arith.constant 0 : i32
        %dma_start3A_83 = tpu.memref_slice %arg8[%rem3A_46, %dma_start3A_81, %dma_start3A_82] : memref<3x80x128xf32, #tpu.memory_space<vmem>> -> memref<1x80x128xf32, #tpu.memory_space<vmem>>
        %dma_start3A_84 = tpu.memref_squeeze %dma_start3A_83 : memref<1x80x128xf32, #tpu.memory_space<vmem>> -> memref<80x128xf32, #tpu.memory_space<vmem>>
        %dma_start3A_85 = tpu.memref_slice %arg7[%mul3A_80] : memref<10000xi32, #tpu.memory_space<vmem>> -> memref<80xi32, #tpu.memory_space<vmem>>
        %dma_start3A_86 = arith.constant 0 : i32
        %dma_start3A_87 = arith.constant 0 : i32
        %dma_start3A_88 = tpu.memref_slice %arg9[%dma_start3A_86, %dma_start3A_87] : memref<10000x128xf32, #tpu.memory_space<vmem_shared>> -> memref<10000x128xf32, #tpu.memory_space<vmem_shared>>
        %dma_start3A_89 = arith.constant 3 : i32
        %dma_start3A_90 = tpu.memref_slice %arg12[%dma_start3A_89] : memref<6x!tpu.dma_semaphore, #tpu.memory_space<semaphore_mem>> -> memref<3x!tpu.dma_semaphore, #tpu.memory_space<semaphore_mem>>
        %dma_start3A_91 = tpu.memref_slice %dma_start3A_90[%rem3A_46] : memref<3x!tpu.dma_semaphore, #tpu.memory_space<semaphore_mem>> -> memref<1x!tpu.dma_semaphore, #tpu.memory_space<semaphore_mem>>
        %dma_start3A_92 = tpu.memref_squeeze %dma_start3A_91 : memref<1x!tpu.dma_semaphore, #tpu.memory_space<semaphore_mem>> -> memref<!tpu.dma_semaphore, #tpu.memory_space<semaphore_mem>>
        tpu.enqueue_indirect_dma source(%dma_start3A_84 : memref<80x128xf32, #tpu.memory_space<vmem>>) target(%dma_start3A_88 : memref<10000x128xf32, #tpu.memory_space<vmem_shared>>) offsets(%dma_start3A_85 : memref<80xi32, #tpu.memory_space<vmem>>) semaphore(%dma_start3A_92 : memref<!tpu.dma_semaphore, #tpu.memory_space<semaphore_mem>>) {add = true}
      } else {
      }
    }
    %scan3A_29 = arith.constant 128 : i32
    %barrier3A_30 = arith.constant 0 : index
    tpu.barrier barrier_id(%barrier3A_30)
    "tpu.region"() ({
      %run_scoped3A = tpu.sem_alloc : memref<!tpu.dma_semaphore, #tpu.memory_space<semaphore_mem>>
      %dma_start3A_36 = arith.constant 0 : i32
      %dma_start3A_37 = tpu.memref_slice %arg5[%arg0, %multiple_of3A_5, %dma_start3A_36] : memref<2x10000x128xf32, #tpu.memory_space<hbm>> -> memref<1x624x128xf32, #tpu.memory_space<hbm>>
      %dma_start3A_38 = tpu.memref_squeeze %dma_start3A_37 : memref<1x624x128xf32, #tpu.memory_space<hbm>> -> memref<624x128xf32, #tpu.memory_space<hbm>>
      %dma_start3A_39 = arith.constant 0 : i32
      %dma_start3A_40 = tpu.memref_slice %arg9[%multiple_of3A_5, %dma_start3A_39] : memref<10000x128xf32, #tpu.memory_space<vmem_shared>> -> memref<624x128xf32, #tpu.memory_space<vmem_shared>>
      tpu.enqueue_dma source(%dma_start3A_40 : memref<624x128xf32, #tpu.memory_space<vmem_shared>>) target(%dma_start3A_38 : memref<624x128xf32, #tpu.memory_space<hbm>>) target_semaphore(%run_scoped3A : memref<!tpu.dma_semaphore, #tpu.memory_space<semaphore_mem>>)
      %dma_wait3A_41 = arith.constant 0 : i32
      %dma_wait3A_42 = tpu.memref_slice %arg5[%arg0, %multiple_of3A_5, %dma_wait3A_41] : memref<2x10000x128xf32, #tpu.memory_space<hbm>> -> memref<1x624x128xf32, #tpu.memory_space<hbm>>
      %dma_wait3A_43 = tpu.memref_squeeze %dma_wait3A_42 : memref<1x624x128xf32, #tpu.memory_space<hbm>> -> memref<624x128xf32, #tpu.memory_space<hbm>>
      %dma_wait3A_44 = arith.constant 0 : i32
      %dma_wait3A_45 = tpu.memref_slice %arg9[%multiple_of3A_5, %dma_wait3A_44] : memref<10000x128xf32, #tpu.memory_space<vmem_shared>> -> memref<624x128xf32, #tpu.memory_space<vmem_shared>>
      tpu.wait_dma2 semaphore(%run_scoped3A : memref<!tpu.dma_semaphore, #tpu.memory_space<semaphore_mem>>) src(%dma_wait3A_45 : memref<624x128xf32, #tpu.memory_space<vmem_shared>>) dst(%dma_wait3A_43 : memref<624x128xf32, #tpu.memory_space<hbm>>)
      tpu.yield
    }) : () -> ()
    %eq3A_31 = arith.constant 15 : i32
    %eq3A_32 = arith.cmpi eq, %arg1, %eq3A_31 : i32
    %convert_element_type3A_33 = arith.extui %eq3A_32 : i1 to i32
    %cond3A_34 = arith.constant 0 : i32
    %cond3A_35 = arith.cmpi ne, %convert_element_type3A_33, %cond3A_34 : i32
    scf.if %cond3A_35 {
      "tpu.region"() ({
        %run_scoped3A = tpu.sem_alloc : memref<!tpu.dma_semaphore, #tpu.memory_space<semaphore_mem>>
        %dma_start3A_36 = arith.constant 9984 : i32
        %dma_start3A_37 = arith.constant 0 : i32
        %dma_start3A_38 = tpu.memref_slice %arg5[%arg0, %dma_start3A_36, %dma_start3A_37] : memref<2x10000x128xf32, #tpu.memory_space<hbm>> -> memref<1x16x128xf32, #tpu.memory_space<hbm>>
        %dma_start3A_39 = tpu.memref_squeeze %dma_start3A_38 : memref<1x16x128xf32, #tpu.memory_space<hbm>> -> memref<16x128xf32, #tpu.memory_space<hbm>>
        %dma_start3A_40 = arith.constant 9984 : i32
        %dma_start3A_41 = arith.constant 0 : i32
        %dma_start3A_42 = tpu.memref_slice %arg9[%dma_start3A_40, %dma_start3A_41] : memref<10000x128xf32, #tpu.memory_space<vmem_shared>> -> memref<16x128xf32, #tpu.memory_space<vmem_shared>>
        tpu.enqueue_dma source(%dma_start3A_42 : memref<16x128xf32, #tpu.memory_space<vmem_shared>>) target(%dma_start3A_39 : memref<16x128xf32, #tpu.memory_space<hbm>>) target_semaphore(%run_scoped3A : memref<!tpu.dma_semaphore, #tpu.memory_space<semaphore_mem>>)
        %dma_wait3A_43 = arith.constant 9984 : i32
        %dma_wait3A_44 = arith.constant 0 : i32
        %dma_wait3A_45 = tpu.memref_slice %arg5[%arg0, %dma_wait3A_43, %dma_wait3A_44] : memref<2x10000x128xf32, #tpu.memory_space<hbm>> -> memref<1x16x128xf32, #tpu.memory_space<hbm>>
        %dma_wait3A_46 = tpu.memref_squeeze %dma_wait3A_45 : memref<1x16x128xf32, #tpu.memory_space<hbm>> -> memref<16x128xf32, #tpu.memory_space<hbm>>
        %dma_wait3A_47 = arith.constant 9984 : i32
        %dma_wait3A_48 = arith.constant 0 : i32
        %dma_wait3A_49 = tpu.memref_slice %arg9[%dma_wait3A_47, %dma_wait3A_48] : memref<10000x128xf32, #tpu.memory_space<vmem_shared>> -> memref<16x128xf32, #tpu.memory_space<vmem_shared>>
        tpu.wait_dma2 semaphore(%run_scoped3A : memref<!tpu.dma_semaphore, #tpu.memory_space<semaphore_mem>>) src(%dma_wait3A_49 : memref<16x128xf32, #tpu.memory_space<vmem_shared>>) dst(%dma_wait3A_46 : memref<16x128xf32, #tpu.memory_space<hbm>>)
        tpu.yield
      }) : () -> ()
    } else {
    }
    return
  }
}

module attributes {stable_mosaic.version = 14 : i64} {
  func.func @body(%arg0: i32, %arg1: memref<2x2000x8xf32, #tpu.memory_space<vmem>>, %arg2: memref<2000x128xf32, #tpu.memory_space<vmem>>, %arg3: memref<128x128xf32, #tpu.memory_space<vmem>>, %arg4: memref<2000x128xf32, #tpu.memory_space<vmem>>, %arg5: memref<2000x8xf32, #tpu.memory_space<vmem>>) attributes {dimension_semantics = [#tpu.dimension_semantics<arbitrary>], iteration_bounds = array<i64: 5>, scalar_prefetch = 0 : i64, scratch_operands = 0 : i64, tpu.core_type = #tpu.core_type<tc>, window_params = [{transform_indices = @transform_0, window_bounds = array<i64: 2, 2000, 8>}, {transform_indices = @transform_1, window_bounds = array<i64: 2000, 128>}, {pipeline_mode = #tpu.pipeline_mode<synchronous>, transform_indices = @transform_2, window_bounds = array<i64: 128, 128>}, {transform_indices = @transform_3, window_bounds = array<i64: 2000, 128>}, {transform_indices = @transform_4, window_bounds = array<i64: 2000, 8>}]} {
    %get3A = arith.constant 0 : index
    %get3A_0 = arith.constant 0 : index
    %get3A_1 = arith.constant 0 : index
    %get3A_2 = vector.load %arg1[%get3A, %get3A_0, %get3A_1] : memref<2x2000x8xf32, #tpu.memory_space<vmem>>, vector<1x2000x1xf32>
    %get3A_3 = vector.shape_cast %get3A_2 : vector<1x2000x1xf32> to vector<2000x1xf32>
    %get3A_4 = arith.constant 1 : index
    %get3A_5 = arith.constant 0 : index
    %get3A_6 = arith.constant 0 : index
    %get3A_7 = vector.load %arg1[%get3A_4, %get3A_5, %get3A_6] : memref<2x2000x8xf32, #tpu.memory_space<vmem>>, vector<1x2000x1xf32>
    %get3A_8 = vector.shape_cast %get3A_7 : vector<1x2000x1xf32> to vector<2000x1xf32>
    %add3A = arith.addf %get3A_3, %get3A_8 : vector<2000x1xf32>
    %add3A_9 = arith.constant 1.000000e+00 : f32
    %add3A_10 = vector.broadcast %add3A_9 : f32 to vector<2000x1xf32>
    %add3A_11 = arith.addf %add3A, %add3A_10 : vector<2000x1xf32>
    %rsqrt3A = math.rsqrt %add3A_11 : vector<2000x1xf32>
    %get3A_12 = arith.constant 0 : index
    %get3A_13 = arith.constant 0 : index
    %get3A_14 = vector.load %arg2[%get3A_12, %get3A_13] : memref<2000x128xf32, #tpu.memory_space<vmem>>, vector<2000x128xf32>
    %get3A_15 = arith.constant 0 : index
    %get3A_16 = arith.constant 0 : index
    %get3A_17 = vector.load %arg3[%get3A_15, %get3A_16] : memref<128x128xf32, #tpu.memory_space<vmem>>, vector<128x128xf32>
    %dot_general3A = arith.constant dense<0.000000e+00> : vector<2000x128xf32>
    %dot_general3A_18 = tpu.matmul %get3A_14, %get3A_17, %dot_general3A {dimension_numbers = #tpu.dot_dimension_numbers<[1], [0], [0], [1], [0, 0, 1, 1], [], []>, transpose_lhs_hint = false} : vector<2000x128xf32>, vector<128x128xf32>, vector<2000x128xf32> -> vector<2000x128xf32>
    %mul3A = vector.broadcast %rsqrt3A : vector<2000x1xf32> to vector<2000x128xf32>
    %mul3A_19 = arith.mulf %dot_general3A_18, %mul3A : vector<2000x128xf32>
    %swap3A = arith.constant 0 : index
    %swap3A_20 = arith.constant 0 : index
    %swap3A_21 = vector.load %arg4[%swap3A, %swap3A_20] : memref<2000x128xf32, #tpu.memory_space<vmem>>, vector<2000x128xf32>
    tpu.vector_store %arg4[%swap3A, %swap3A_20], %mul3A_19 {strides = array<i32>} : memref<2000x128xf32, #tpu.memory_space<vmem>>, vector<2000x128xf32>,
    %broadcast_in_dim3A = vector.shape_cast %rsqrt3A : vector<2000x1xf32> to vector<2000x1xf32>
    %broadcast_in_dim3A_22 = vector.broadcast %broadcast_in_dim3A : vector<2000x1xf32> to vector<2000x8xf32>
    %swap3A_23 = arith.constant 0 : index
    %swap3A_24 = arith.constant 0 : index
    %swap3A_25 = vector.load %arg5[%swap3A_23, %swap3A_24] : memref<2000x8xf32, #tpu.memory_space<vmem>>, vector<2000x8xf32>
    tpu.vector_store %arg5[%swap3A_23, %swap3A_24], %broadcast_in_dim3A_22 {strides = array<i32>} : memref<2000x8xf32, #tpu.memory_space<vmem>>, vector<2000x8xf32>,
    return
  }
  func.func @transform_0(%arg0: i32) -> (i32, i32, i32) {
    %c0_i32 = arith.constant 0 : i32
    %c0_i32_0 = arith.constant 0 : i32
    %c0_i32_1 = arith.constant 0 : i32
    return %c0_i32, %arg0, %c0_i32_0 : i32, i32, i32
  }
  func.func @transform_1(%arg0: i32) -> (i32, i32) {
    %c0_i32 = arith.constant 0 : i32
    %c0_i32_0 = arith.constant 0 : i32
    return %arg0, %c0_i32 : i32, i32
  }
  func.func @transform_2(%arg0: i32) -> (i32, i32) {
    %c0_i32 = arith.constant 0 : i32
    %c0_i32_0 = arith.constant 0 : i32
    %c0_i32_1 = arith.constant 0 : i32
    return %c0_i32, %c0_i32_0 : i32, i32
  }
  func.func @transform_3(%arg0: i32) -> (i32, i32) {
    %c0_i32 = arith.constant 0 : i32
    %c0_i32_0 = arith.constant 0 : i32
    return %arg0, %c0_i32 : i32, i32
  }
  func.func @transform_4(%arg0: i32) -> (i32, i32) {
    %c0_i32 = arith.constant 0 : i32
    %c0_i32_0 = arith.constant 0 : i32
    return %arg0, %c0_i32 : i32, i32
  }
}

module attributes {stable_mosaic.version = 14 : i64} {
  func.func @body(%arg0: i32, %arg1: memref<2x2000x128xf32, #tpu.memory_space<vmem>>, %arg2: memref<2000x128xf32, #tpu.memory_space<vmem>>, %arg3: memref<2000x8xf32, #tpu.memory_space<vmem>>, %arg4: memref<1x128xf32, #tpu.memory_space<vmem>>, %arg5: memref<128x128xf32, #tpu.memory_space<vmem>>, %arg6: memref<2000x128xf32, #tpu.memory_space<vmem>>) attributes {dimension_semantics = [#tpu.dimension_semantics<arbitrary>], iteration_bounds = array<i64: 5>, scalar_prefetch = 0 : i64, scratch_operands = 0 : i64, tpu.core_type = #tpu.core_type<tc>, window_params = [{transform_indices = @transform_0, window_bounds = array<i64: 2, 2000, 128>}, {transform_indices = @transform_1, window_bounds = array<i64: 2000, 128>}, {transform_indices = @transform_2, window_bounds = array<i64: 2000, 8>}, {pipeline_mode = #tpu.pipeline_mode<synchronous>, transform_indices = @transform_3, window_bounds = array<i64: 1, 128>}, {pipeline_mode = #tpu.pipeline_mode<synchronous>, transform_indices = @transform_4, window_bounds = array<i64: 128, 128>}, {transform_indices = @transform_5, window_bounds = array<i64: 2000, 128>}]} {
    %get3A = arith.constant 0 : index
    %get3A_0 = arith.constant 0 : index
    %get3A_1 = vector.load %arg3[%get3A, %get3A_0] : memref<2000x8xf32, #tpu.memory_space<vmem>>, vector<2000x1xf32>
    %get3A_2 = arith.constant 0 : index
    %get3A_3 = arith.constant 0 : index
    %get3A_4 = arith.constant 0 : index
    %get3A_5 = vector.load %arg1[%get3A_2, %get3A_3, %get3A_4] : memref<2x2000x128xf32, #tpu.memory_space<vmem>>, vector<1x2000x128xf32>
    %get3A_6 = vector.shape_cast %get3A_5 : vector<1x2000x128xf32> to vector<2000x128xf32>
    %get3A_7 = arith.constant 1 : index
    %get3A_8 = arith.constant 0 : index
    %get3A_9 = arith.constant 0 : index
    %get3A_10 = vector.load %arg1[%get3A_7, %get3A_8, %get3A_9] : memref<2x2000x128xf32, #tpu.memory_space<vmem>>, vector<1x2000x128xf32>
    %get3A_11 = vector.shape_cast %get3A_10 : vector<1x2000x128xf32> to vector<2000x128xf32>
    %add3A = arith.addf %get3A_6, %get3A_11 : vector<2000x128xf32>
    %get3A_12 = arith.constant 0 : index
    %get3A_13 = arith.constant 0 : index
    %get3A_14 = vector.load %arg2[%get3A_12, %get3A_13] : memref<2000x128xf32, #tpu.memory_space<vmem>>, vector<2000x128xf32>
    %add3A_15 = arith.addf %add3A, %get3A_14 : vector<2000x128xf32>
    %mul3A = vector.broadcast %get3A_1 : vector<2000x1xf32> to vector<2000x128xf32>
    %mul3A_16 = arith.mulf %mul3A, %add3A_15 : vector<2000x128xf32>
    %get3A_17 = arith.constant 0 : index
    %get3A_18 = arith.constant 0 : index
    %get3A_19 = vector.load %arg4[%get3A_17, %get3A_18] : memref<1x128xf32, #tpu.memory_space<vmem>>, vector<1x128xf32>
    %add3A_20 = vector.broadcast %get3A_19 : vector<1x128xf32> to vector<2000x128xf32>
    %add3A_21 = arith.addf %mul3A_16, %add3A_20 : vector<2000x128xf32>
    %max3A = arith.constant 0.000000e+00 : f32
    %max3A_22 = vector.broadcast %max3A : f32 to vector<2000x128xf32>
    %max3A_23 = arith.maximumf %add3A_21, %max3A_22 : vector<2000x128xf32>
    %get3A_24 = arith.constant 0 : index
    %get3A_25 = arith.constant 0 : index
    %get3A_26 = vector.load %arg5[%get3A_24, %get3A_25] : memref<128x128xf32, #tpu.memory_space<vmem>>, vector<128x128xf32>
    %dot_general3A = arith.constant dense<0.000000e+00> : vector<2000x128xf32>
    %dot_general3A_27 = tpu.matmul %max3A_23, %get3A_26, %dot_general3A {dimension_numbers = #tpu.dot_dimension_numbers<[1], [0], [0], [1], [0, 0, 1, 1], [], []>, transpose_lhs_hint = false} : vector<2000x128xf32>, vector<128x128xf32>, vector<2000x128xf32> -> vector<2000x128xf32>
    %mul3A_28 = vector.broadcast %get3A_1 : vector<2000x1xf32> to vector<2000x128xf32>
    %mul3A_29 = arith.mulf %dot_general3A_27, %mul3A_28 : vector<2000x128xf32>
    %swap3A = arith.constant 0 : index
    %swap3A_30 = arith.constant 0 : index
    %swap3A_31 = vector.load %arg6[%swap3A, %swap3A_30] : memref<2000x128xf32, #tpu.memory_space<vmem>>, vector<2000x128xf32>
    tpu.vector_store %arg6[%swap3A, %swap3A_30], %mul3A_29 {strides = array<i32>} : memref<2000x128xf32, #tpu.memory_space<vmem>>, vector<2000x128xf32>,
    return
  }
  func.func @transform_0(%arg0: i32) -> (i32, i32, i32) {
    %c0_i32 = arith.constant 0 : i32
    %c0_i32_0 = arith.constant 0 : i32
    %c0_i32_1 = arith.constant 0 : i32
    return %c0_i32, %arg0, %c0_i32_0 : i32, i32, i32
  }
  func.func @transform_1(%arg0: i32) -> (i32, i32) {
    %c0_i32 = arith.constant 0 : i32
    %c0_i32_0 = arith.constant 0 : i32
    return %arg0, %c0_i32 : i32, i32
  }
  func.func @transform_2(%arg0: i32) -> (i32, i32) {
    %c0_i32 = arith.constant 0 : i32
    %c0_i32_0 = arith.constant 0 : i32
    return %arg0, %c0_i32 : i32, i32
  }
  func.func @transform_3(%arg0: i32) -> (i32, i32) {
    %c0_i32 = arith.constant 0 : i32
    %c0_i32_0 = arith.constant 0 : i32
    %c0_i32_1 = arith.constant 0 : i32
    return %c0_i32, %c0_i32_0 : i32, i32
  }
  func.func @transform_4(%arg0: i32) -> (i32, i32) {
    %c0_i32 = arith.constant 0 : i32
    %c0_i32_0 = arith.constant 0 : i32
    %c0_i32_1 = arith.constant 0 : i32
    return %c0_i32, %c0_i32_0 : i32, i32
  }
  func.func @transform_5(%arg0: i32) -> (i32, i32) {
    %c0_i32 = arith.constant 0 : i32
    %c0_i32_0 = arith.constant 0 : i32
    return %arg0, %c0_i32 : i32, i32
  }
}

module attributes {stable_mosaic.version = 14 : i64} {
  func.func @body(%arg0: i32, %arg1: memref<2x2000x128xf32, #tpu.memory_space<vmem>>, %arg2: memref<2000x128xf32, #tpu.memory_space<vmem>>, %arg3: memref<2000x8xf32, #tpu.memory_space<vmem>>, %arg4: memref<1x128xf32, #tpu.memory_space<vmem>>, %arg5: memref<128x768xf32, #tpu.memory_space<vmem>>, %arg6: memref<1x768xf32, #tpu.memory_space<vmem>>, %arg7: memref<2000x768xf32, #tpu.memory_space<vmem>>) attributes {dimension_semantics = [#tpu.dimension_semantics<arbitrary>], iteration_bounds = array<i64: 5>, scalar_prefetch = 0 : i64, scratch_operands = 0 : i64, tpu.core_type = #tpu.core_type<tc>, window_params = [{transform_indices = @transform_0, window_bounds = array<i64: 2, 2000, 128>}, {transform_indices = @transform_1, window_bounds = array<i64: 2000, 128>}, {transform_indices = @transform_2, window_bounds = array<i64: 2000, 8>}, {pipeline_mode = #tpu.pipeline_mode<synchronous>, transform_indices = @transform_3, window_bounds = array<i64: 1, 128>}, {pipeline_mode = #tpu.pipeline_mode<synchronous>, transform_indices = @transform_4, window_bounds = array<i64: 128, 768>}, {pipeline_mode = #tpu.pipeline_mode<synchronous>, transform_indices = @transform_5, window_bounds = array<i64: 1, 768>}, {transform_indices = @transform_6, window_bounds = array<i64: 2000, 768>}]} {
    %get3A = arith.constant 0 : index
    %get3A_0 = arith.constant 0 : index
    %get3A_1 = vector.load %arg3[%get3A, %get3A_0] : memref<2000x8xf32, #tpu.memory_space<vmem>>, vector<2000x1xf32>
    %get3A_2 = arith.constant 0 : index
    %get3A_3 = arith.constant 0 : index
    %get3A_4 = arith.constant 0 : index
    %get3A_5 = vector.load %arg1[%get3A_2, %get3A_3, %get3A_4] : memref<2x2000x128xf32, #tpu.memory_space<vmem>>, vector<1x2000x128xf32>
    %get3A_6 = vector.shape_cast %get3A_5 : vector<1x2000x128xf32> to vector<2000x128xf32>
    %get3A_7 = arith.constant 1 : index
    %get3A_8 = arith.constant 0 : index
    %get3A_9 = arith.constant 0 : index
    %get3A_10 = vector.load %arg1[%get3A_7, %get3A_8, %get3A_9] : memref<2x2000x128xf32, #tpu.memory_space<vmem>>, vector<1x2000x128xf32>
    %get3A_11 = vector.shape_cast %get3A_10 : vector<1x2000x128xf32> to vector<2000x128xf32>
    %add3A = arith.addf %get3A_6, %get3A_11 : vector<2000x128xf32>
    %get3A_12 = arith.constant 0 : index
    %get3A_13 = arith.constant 0 : index
    %get3A_14 = vector.load %arg2[%get3A_12, %get3A_13] : memref<2000x128xf32, #tpu.memory_space<vmem>>, vector<2000x128xf32>
    %add3A_15 = arith.addf %add3A, %get3A_14 : vector<2000x128xf32>
    %mul3A = vector.broadcast %get3A_1 : vector<2000x1xf32> to vector<2000x128xf32>
    %mul3A_16 = arith.mulf %mul3A, %add3A_15 : vector<2000x128xf32>
    %get3A_17 = arith.constant 0 : index
    %get3A_18 = arith.constant 0 : index
    %get3A_19 = vector.load %arg4[%get3A_17, %get3A_18] : memref<1x128xf32, #tpu.memory_space<vmem>>, vector<1x128xf32>
    %add3A_20 = vector.broadcast %get3A_19 : vector<1x128xf32> to vector<2000x128xf32>
    %add3A_21 = arith.addf %mul3A_16, %add3A_20 : vector<2000x128xf32>
    %get3A_22 = arith.constant 0 : index
    %get3A_23 = arith.constant 0 : index
    %get3A_24 = vector.load %arg5[%get3A_22, %get3A_23] : memref<128x768xf32, #tpu.memory_space<vmem>>, vector<128x768xf32>
    %dot_general3A = arith.constant dense<0.000000e+00> : vector<2000x768xf32>
    %dot_general3A_25 = tpu.matmul %add3A_21, %get3A_24, %dot_general3A {dimension_numbers = #tpu.dot_dimension_numbers<[1], [0], [0], [1], [0, 0, 1, 1], [], []>, transpose_lhs_hint = false} : vector<2000x128xf32>, vector<128x768xf32>, vector<2000x768xf32> -> vector<2000x768xf32>
    %get3A_26 = arith.constant 0 : index
    %get3A_27 = arith.constant 0 : index
    %get3A_28 = vector.load %arg6[%get3A_26, %get3A_27] : memref<1x768xf32, #tpu.memory_space<vmem>>, vector<1x768xf32>
    %add3A_29 = vector.broadcast %get3A_28 : vector<1x768xf32> to vector<2000x768xf32>
    %add3A_30 = arith.addf %dot_general3A_25, %add3A_29 : vector<2000x768xf32>
    %swap3A = arith.constant 0 : index
    %swap3A_31 = arith.constant 0 : index
    %swap3A_32 = vector.load %arg7[%swap3A, %swap3A_31] : memref<2000x768xf32, #tpu.memory_space<vmem>>, vector<2000x768xf32>
    tpu.vector_store %arg7[%swap3A, %swap3A_31], %add3A_30 {strides = array<i32>} : memref<2000x768xf32, #tpu.memory_space<vmem>>, vector<2000x768xf32>,
    return
  }
  func.func @transform_0(%arg0: i32) -> (i32, i32, i32) {
    %c0_i32 = arith.constant 0 : i32
    %c0_i32_0 = arith.constant 0 : i32
    %c0_i32_1 = arith.constant 0 : i32
    return %c0_i32, %arg0, %c0_i32_0 : i32, i32, i32
  }
  func.func @transform_1(%arg0: i32) -> (i32, i32) {
    %c0_i32 = arith.constant 0 : i32
    %c0_i32_0 = arith.constant 0 : i32
    return %arg0, %c0_i32 : i32, i32
  }
  func.func @transform_2(%arg0: i32) -> (i32, i32) {
    %c0_i32 = arith.constant 0 : i32
    %c0_i32_0 = arith.constant 0 : i32
    return %arg0, %c0_i32 : i32, i32
  }
  func.func @transform_3(%arg0: i32) -> (i32, i32) {
    %c0_i32 = arith.constant 0 : i32
    %c0_i32_0 = arith.constant 0 : i32
    %c0_i32_1 = arith.constant 0 : i32
    return %c0_i32, %c0_i32_0 : i32, i32
  }
  func.func @transform_4(%arg0: i32) -> (i32, i32) {
    %c0_i32 = arith.constant 0 : i32
    %c0_i32_0 = arith.constant 0 : i32
    %c0_i32_1 = arith.constant 0 : i32
    return %c0_i32, %c0_i32_0 : i32, i32
  }
  func.func @transform_5(%arg0: i32) -> (i32, i32) {
    %c0_i32 = arith.constant 0 : i32
    %c0_i32_0 = arith.constant 0 : i32
    %c0_i32_1 = arith.constant 0 : i32
    return %c0_i32, %c0_i32_0 : i32, i32
  }
  func.func @transform_6(%arg0: i32) -> (i32, i32) {
    %c0_i32 = arith.constant 0 : i32
    %c0_i32_0 = arith.constant 0 : i32
    return %arg0, %c0_i32 : i32, i32
  }
}

</mosaic_0001>

<sc_bundles>
// kernel: kernel.11.cloned.1.call-start
scs
__scs_entry_jumppad:
0x0: {  	(pc) =	sbr.rel $0x88, $3  }
0x1: {  	(tag) =	ssettag $0x0;
	lr =	simm.s32 $0x1  }
0x2: {  	[smem:$0x3F99] =	sst lr;
	_ =	strace $0xD0000000  }
0x3: {  	_ = 	snop  }
0x4: {  	_ = 	snop  }
0x5: {  	_ = 	snop  }
0x6: {  	_ = 	snop  }
0x7: {  	_ = 	snop  }
__scs_overlays_trampoline_lowered:
0x8: {  	[smem:$0x3FA8] =	sst s0  }
0x9: {  	[smem:$0x3FA9] =	sst s1  }
0xa: {  	[smem:$0x3FAA] =	sst s2  }
0xb: {  	[smem:$0x3FAB] =	sst s3  }
0xc: {  	[smem:$0x3FAC] =	sst s4  }
0xd: {  	[smem:$0x3FAD] =	sst s5  }
0xe: {  	[smem:$0x3FAE] =	sst s6  }
0xf: {  	[smem:$0x3FAF] =	sst s7  }
0x10: {  	[smem:$0x3FB0] =	sst s8  }
0x11: {  	[smem:$0x3FB1] =	sst s9;
	s0 =	simm.s32 @!p0 $0x0  }
0x12: {  	s1 =	sld [smem:$0x3F97];
	s0 =	simm.s32 @p0 $0x1  }
0x13: {  	[smem:$0x3FB2] =	sst s0;
	s0 =	simm.s32 @!p1 $0x0  }
0x14: {  	s2 =	sld [smem:$0x3F96];
	s0 =	simm.s32 @p1 $0x1  }
0x15: {  	[smem:$0x3FB3] =	sst s0;
	s0 =	simm.s32 @!p2 $0x0  }
0x16: {  	s3 =	sld [smem:$0x3FDB];
	s0 =	simm.s32 @p2 $0x1  }
0x17: {  	s4 =	simm.s32 $0x1BF5;
	[smem:$0x3FB5] =	sst s0  }
0x18: {  	s0 =	sld [smem:$0x3F98];
	_ =	swait.ge [sflag:s4], $0x0  }
0x19: {  	s7 =	sld [smem:$0x3F99]  }
0x1a: {  	s8 =	sadd.s32 $0xFFFFE003, lr  }
0x1b: {  	s9 =	sadd.s32 $0xFFFFFEF7, lr;
	s5 =	simm.s32 $0xFFFFFFFF;
	p2 =	slt.u32 s8, $0xFFFFF086  }
0x1c: {  	p1 =	slt.u32 s9, $0xF7A;
	s5 =	simm.s32 @!p2 $0x0  }
0x1d: {  	s5 =	simm.s32 @p1 $0x1;
	p0 =	seq.s32 s7, s2  }
0x1e: {  	s7 =	smul.u32 @!p0 $0xF7A, s2;
	p2 =	seq.s32 @!p0 s5, $0x0  }
0x1f: {  	s9 =	smul.u32 $0xF7A, s1;
	s8 =	simm.s32 @!p0 $0x1BF5;
	p2 =	por !p2, p0  }
0x20: {  	[sflag:s8] =	ssyncset.s32 @!p0 $0xFFFFF086;
	s6 =	sadd.s32 @!p0 s3, s7;
	s7 =	simm.s32 @!p0 $0x108  }
0x21: {  	s3 =	sadd.s32 s3, s9;
	s6 =	sadd.s32 @!p0 $0x88, s6;
	s7 =	simm.s32 @p2 $0x1082  }
0x22: {  	[simem:s7], [sflag:s8] =	dma.local @!p0 [hbm:s6], $0xF7A  }
0x23: {  	s9 =	sor.u32 $0xD0000000, s2;
	s6 =	simm.s32 $0x108;
	_ =	swait.ge @!p0 [sflag:s8], $0x0  }
0x24: {  	s3 =	sadd.s32 $0x88, s3;
	s6 =	simm.s32 @!p1 $0x1082;
	[sflag:s4] =	ssyncset.s32 $0xFFFFF086  }
0x25: {  	[simem:s6], [sflag:s4] =	dma.local [hbm:s3], $0xF7A  }
0x26: {  	[smem:$0x3F99] =	sst s1;
	(tag) =	ssettag s2;
	_ =	strace s9  }
0x27: {  	s1 =	sld [smem:$0x3FA9]  }
0x28: {  	s2 =	sld [smem:$0x3FAA]  }
0x29: {  	s4 =	sld [smem:$0x3FAC]  }
0x2a: {  	p0 =	seq.s32 s5, $0x0;
	s5 =	sld [smem:$0x3FAD]  }
0x2b: {  	s6 =	sld [smem:$0x3FAE]  }
0x2c: {  	s7 =	sld [smem:$0x3FAF]  }
0x2d: {  	s3 =	simm.s32 $0x108;
	s8 =	sld [smem:$0x3FB0]  }
0x2e: {  	s3 =	simm.s32 @!p0 $0x1082;
	s9 =	sld [smem:$0x3FB1]  }
0x2f: {  	lr =	sadd.s32 s0, s3;
	s0 =	sld [smem:$0x3FA8]  }
0x30: {  	s3 =	sld [smem:$0x3FAB]  }
0x31: {  	[smem:$0x3FB4] =	sst s10  }
0x32: {  	s10 =	sld [smem:$0x3FB2];
	_ =	sdelay $0x3  }
0x33: {  	p0 =	seq.s32 s10, $0x1;
	s10 =	sld [smem:$0x3FB4];
	_ =	sdelay $0x3  }
0x34: {  	[smem:$0x3FB4] =	sst s10  }
0x35: {  	s10 =	sld [smem:$0x3FB3];
	_ =	sdelay $0x3  }
0x36: {  	p1 =	seq.s32 s10, $0x1;
	s10 =	sld [smem:$0x3FB4];
	_ =	sdelay $0x3  }
0x37: {  	[smem:$0x3FB4] =	sst s10  }
0x38: {  	s10 =	sld [smem:$0x3FB5]  }
0x39: {  	_ = 	snop;
	(pc) =	sbr.ind lr, $3  }
0x3a: {  	_ = 	snop  }
0x3b: {  	_ = 	snop  }
0x3c: {  	p2 =	seq.s32 s10, $0x1;
	s10 =	sld [smem:$0x3FB4]  }
0x3d: {  	_ =	shalt  }
0x3e: {  	_ =	shalt  }
0x3f: {  	_ =	shalt  }
0x40: {  	_ =	shalt  }
0x41: {  	_ =	shalt  }
0x42: {  	_ =	shalt  }
0x43: {  	_ =	shalt  }
0x44: {  	_ =	shalt  }
0x45: {  	_ =	shalt  }
0x46: {  	_ =	shalt  }
0x47: {  	_ =	shalt  }
0x48: {  	_ =	shalt  }
0x49: {  	_ =	shalt  }
0x4a: {  	_ =	shalt  }
0x4b: {  	_ =	shalt  }
0x4c: {  	_ =	shalt  }
0x4d: {  	_ =	shalt  }
0x4e: {  	_ =	shalt  }
0x4f: {  	_ =	shalt  }
0x50: {  	_ =	shalt  }
0x51: {  	_ =	shalt  }
0x52: {  	_ =	shalt  }
0x53: {  	_ =	shalt  }
0x54: {  	_ =	shalt  }
0x55: {  	_ =	shalt  }
0x56: {  	_ =	shalt  }
0x57: {  	_ =	shalt  }
0x58: {  	_ =	shalt  }
0x59: {  	_ =	shalt  }
0x5a: {  	_ =	shalt  }
0x5b: {  	_ =	shalt  }
0x5c: {  	_ =	shalt  }
0x5d: {  	_ =	shalt  }
0x5e: {  	_ =	shalt  }
0x5f: {  	_ =	shalt  }
0x60: {  	_ =	shalt  }
0x61: {  	_ =	shalt  }
0x62: {  	_ =	shalt  }
0x63: {  	_ =	shalt  }
0x64: {  	_ =	shalt  }
0x65: {  	_ =	shalt  }
0x66: {  	_ =	shalt  }
0x67: {  	_ =	shalt  }
0x68: {  	_ =	shalt  }
0x69: {  	_ =	shalt  }
0x6a: {  	_ =	shalt  }
0x6b: {  	_ =	shalt  }
0x6c: {  	_ =	shalt  }
0x6d: {  	_ =	shalt  }
0x6e: {  	_ =	shalt  }
0x6f: {  	_ =	shalt  }
0x70: {  	_ =	shalt  }
0x71: {  	_ =	shalt  }
0x72: {  	_ =	shalt  }
0x73: {  	_ =	shalt  }
0x74: {  	_ =	shalt  }
0x75: {  	_ =	shalt  }
0x76: {  	_ =	shalt  }
0x77: {  	_ =	shalt  }
0x78: {  	_ =	shalt  }
0x79: {  	_ =	shalt  }
0x7a: {  	_ =	shalt  }
0x7b: {  	_ =	shalt  }
0x7c: {  	_ =	shalt  }
0x7d: {  	_ =	shalt  }
0x7e: {  	_ =	shalt  }
0x7f: {  	_ =	shalt  }
0x80: {  	_ =	shalt  }
0x81: {  	_ =	shalt  }
0x82: {  	_ =	shalt  }
0x83: {  	_ =	shalt  }
0x84: {  	_ =	shalt  }
0x85: {  	_ =	shalt  }
0x86: {  	_ =	shalt  }
0x87: {  	_ =	shalt  }
.Lfunc_end0:
.L_simem_size_0:
called_computation.1_lowered:
.L_overlay_start_0:
0x88: {  	s2 =	sld [smem:$0x3FD9]  }
0x89: {  	s3 =	sld [smem:$0x3FFE];
	_ =	sdelay $0x1  }
0x8a: {  	s1 =	srdreg.scid  }
0x8b: {  	s0 =	sand.u32 $0x1, s1  }
0x8c: {  	s17 =	sshll.u32 s0, $0xA;
	s2 =	sadd.s32 s3, s2  }
0x8d: {  	s2 =	sadd.s32 s2, s17  }
0x8e: {  	[smem:$0x3FC0] =	sst s2  }
0x8f: {  	_ = 	snop  }
0x90: {  	s2 =	sld [smem:$0x3FD0];
	(tm) =	ssettm $0x1  }
0x91: {  	s18 =	sld [smem:$0x3FFB];
	_ =	sdelay $0x3  }
0x92: {  	_ =	strace s18  }
0x93: {  	s3 =	sld [smem:$0x3FFC];
	_ =	sdelay $0x3  }
0x94: {  	_ =	strace s3  }
0x95: {  	s3 =	sld [smem:$0x3FFD];
	_ =	sdelay $0x3  }
0x96: {  	_ =	strace s3  }
0x97: {  	_ =	strace $0x8FFFFFFF  }
0x98: {  	s19 =	sld [smem:$0x3FDB];
	_ =	sdelay $0x1  }
0x99: {  	s4 =	simm.s32 $_scs_section_size  }
0x9a: {  	s5 =	simm.s32 $_size__tile_overlayer_lowered;
	s6 =	simm.s32 $_tile_overlayer_lowered  }
0x9b: {  	s22 =	simm.s32 $0x1BFF;
	s21 =	sshll.u32 s6, $0x1;
	s3 =	sadd.s32 s4, s19  }
0x9c: {  	s7 =	simm.s32 $0x0;
	s20 =	sshll.u32 s5, $0x1;
	s5 =	sadd.s32 s21, s3  }
0x9d: {  	[timem:s7], [sflag:s22] =	dma.local [hbm:s5], s20  }
0x9e: {  	_ =	swait.ge [sflag:s22], s20  }
0x9f: {  	s4 =	ssub.s32 $0x0, s20;
	[sflag:s22] =	ssyncset.done $0x0  }
0xa0: {  	[sflag:s22] =	ssyncadd.s32 s4;
	_ =	sdelay $0x1  }
0xa1: {  	s23 =	simm.s32 $0x1B8B  }
0xa2: {  	_ =	swait.ge [sflag:s23], $0x1  }
0xa3: {  	[sflag:s23] =	ssyncset.done $0x0  }
0xa4: {  	s25 =	simm.s32 $0x1B8E;
	s24 =	sld [smem:$0x3FFE];
	[sflag:s23] =	ssyncadd.s32 $0xFFFFFFFF  }
0xa5: {  	s26 =	simm.s32 $execute0_lowered;
	[smem:$0x3FD2] =	sst s25  }
0xa6: {  	s5 =	sshll.u32 s26, $0x1;
	_ =	strace $0x80000049;
	[dreg:$0x1] =	wrdreg $0xFFFFFFFF  }
0xa7: {  	s28 =	simm.s32 $_size_execute0_lowered;
	s3 =	sadd.s32 s3, s5;
	[dreg:$0x0] =	wrdreg $0x0  }
0xa8: {  	s5 =	sshll.u32 s28, $0x1;
	[dreg:$0x2] =	wrdreg s3  }
0xa9: {  	[dreg:$0x3] =	wrdreg s5  }
0xaa: {  	[dreg:$0x4] =	wrdreg $0xC0  }
0xab: {  	_ =	task [dreg:s7], $0x5FFFF  }
0xac: {  	[dreg:$0x1] =	wrdreg $0xFFFFFFFF  }
0xad: {  	[dreg:$0x0] =	wrdreg $0x60  }
0xae: {  	[dreg:$0x2] =	wrdreg s24  }
0xaf: {  	[dreg:$0x3] =	wrdreg s2  }
0xb0: {  	[dreg:$0x4] =	wrdreg $0xC6200  }
0xb1: {  	[dreg:$0x5] =	wrdreg $0x9  }
0xb2: {  	_ =	task.clear_ibuf [dreg:s7], $0x6FFFF;
	_ =	strace $0x90000049  }
0xb3: {  	s29 =	simm.s32 $0x9;
	_ =	strace $0x8000004B  }
0xb4: {  	_ =	swait.ge [sflag:s29], $0x1  }
0xb5: {  	[sflag:s29] =	ssyncadd.s32 $0xFFFFFFFF  }
0xb6: {  	_ =	strace $0x9000004B  }
0xb7: {  	_ =	sfence  }
0xb8: {  	s30 =	sld [smem:$0x0];
	_ =	sdelay $0x2  }
0xb9: {  	s31 =	sshll.u32 s1, $0xD;
	s1 =	sshrl.u32 s1, $0x2  }
0xba: {  	s3 =	sand.u32 $0x4000, s31;
	s1 =	sadd.s32 s1, s30  }
0xbb: {  	s0 =	sor.u32 s3, s0;
	s1 =	sshll.u32 s1, $0x11  }
0xbc: {  	s0 =	sor.u32 s1, s0  }
0xbd: {  	s0 =	sadd.s32 $0x8F2B, s0  }
0xbe: {  	[sflag:s0] =	ssyncadd.remote.s32 $0x1  }
0xbf: {  	_ =	sfence.sel $0xFFFF  }
0xc0: {  	[dreg:$0x0] =	wrdreg $0xFFFFFFFF;
	(pc) =	sbr.abs _section_cstart, $3  }
0xc1: {  	[dreg:$0x1] =	wrdreg $0xFFFFFFFF  }
0xc2: {  	_ =	task.clear_ibuf [dreg:s7], $0x2FFFF;
	_ =	strace $0x9FFFFFFF  }
0xc3: {  	(tm) =	ssettm $0x7FFFFFFF  }
tec
execute0_lowered:
.L_overlay_start_1:
0x0: {  	(tag) =	ssettag $0x1  }
0x1: {  	s5 =	rddreg [dreg:$0x0]  }
0x2: {  	s1 =	srdreg.scid;
	s9 =	rddreg [dreg:$0x1]  }
0x3: {  	s0 =	stileid.u32;
	s2 =	rddreg [dreg:$0x2]  }
0x4: {  	s3 =	simm.s32 $0x0;
	s14 =	simm.s32 $0x9;
	s16 =	simm.s32 $0x1  }
0x5: {  	s17 =	simm.s32 $0x2;
	s18 =	simm.s32 $0x50;
	s19 =	simm.s32 $0x0  }
0x6: {  	s7 =	sand.u32 $0x1, s1;
	s28 =	sshll.u32 s0, $0x1;
	s1 =	rddreg [dreg:$0x3]  }
0x7: {  	[smem:$0x7FF] =	sst s3;
	s11 =	smul.u32 $0x13800, s0;
	s31 =	sshll.u32 s0, $0x6  }
0x8: {  	s15 =	sadd.s32 $0x138000, s2;
	p0 =	sne.s32 s0, $0xF;
	s4 =	sor.u32 s7, s28  }
0x9: {  	_ =	strace $0x8000004A;
	s29 =	ssub.s32 $0x2, s7;
	s30 =	smul.u32 $0x138800, s7  }
0xa: {  	s15 =	sshrl.u32 @!p0 s15, $0x3;
	s4 =	smul.u32 $0x2710, s4;
	s10 =	sshrl.u32 s29, $0x1  }
0xb: {  	s13 =	sadd.s32 s11, s2;
	s12 =	ssub.s32 s29, s10;
	s11 =	sadd.s32 s11, s30  }
0xc: {  	s10 =	sshrl.u32 s30, $0x3;
	s13 =	sshrl.u32 s13, $0x3;
	s6 =	sshrl.u32 s4, $0x3  }
0xd: {  	s4 =	sadd.s32 $0x16600, s5;
	s11 =	sshrl.u32 s11, $0x3;
	s10 =	sadd.s32 s9, s10  }
0xe: {  	s8 =	sadd.s32 s6, s5;
	s5 =	sadd.s32 $0x3D800, s5;
	s9 =	sadd.s32 s9, s11  }
0xf: {  	s10 =	sadd.s32 $0x27000, s10;
	s11 =	smax.u32 s12, $0x1;
	s12 =	simm.s32 $0x2710  }
0x10: {  	s6 =	sadd.s32 $0x2C00, s8;
	s7 =	sadd.s32 $0xC840, s8;
	s8 =	sor.u32 $0x1C09, s31  }
.LBB2_1:
0x11: {  	[tilespmem:s3], [sflag:$0x1] =	stream.linear.gather [hbm4b:s6+s3], $0x2710, $0x38;
	[tilespmem:$0x1FEA0] =	vst v63  }
0x12: {  	_ = 	snop  }
0x13: {  	[tilespmem:s12], [sflag:$0x2] =	stream.linear.gather [hbm4b:s7+s3], $0x2710, $0x38;
	[tilespmem:$0x1FEA0] =	vst v63  }
0x14: {  	[spmem:s13], [sflag:s8] =	dma.local [hbm:s5], $0x2700  }
0x15: {  	_ =	swait.ge [sflag:s14], $0x2700  }
0x16: {  	[sflag:s14] =	ssyncset.done $0x0  }
0x17: {  	s20 =	simm.s32 @!p0 $0x9;
	[sflag:s14] =	ssyncadd.s32 $0xFFFFD900  }
0x18: {  	[spmem:s15], [sflag:s8] =	dma.local @!p0 [hbm:s5], $0x100  }
0x19: {  	_ =	swait.ge @!p0 [sflag:s20], $0x100  }
0x1a: {  	[sflag:s20] =	ssyncset.done @!p0 $0x0  }
0x1b: {  	[sflag:s20] =	ssyncadd.s32 @!p0 $0xFFFFFF00  }
0x1c: {  	_ =	swait.ge [sflag:s16], $0x2710  }
0x1d: {  	[sflag:s16] =	ssyncset.done $0x0  }
0x1e: {  	[sflag:s16] =	ssyncadd.s32 $0xFFFFD8F0  }
0x1f: {  	_ =	swait.ge [sflag:s17], $0x2710  }
0x20: {  	[sflag:s17] =	ssyncset.done $0x0  }
0x21: {  	s21 =	simm.s32 $0x0;
	[sflag:s17] =	ssyncadd.s32 $0xFFFFD8F0  }
0x22: {  	s22 =	simm.s32 $0x0;
	s20 =	simm.s32 $0x26C0;
	[bflag:$0x0] =	sbarrier.arrive $0xFFFF  }
.LBB2_2:
0x23: {  	s23 =	smul.u32 $0xAB, s22;
	_ =	sdelay $0x1  }
0x24: {  	s23 =	sshrl.u32 s23, $0x9  }
0x25: {  	s23 =	sand.u32 $0x7F, s23  }
0x26: {  	s23 =	smul.u32 $0x3, s23;
	_ =	sdelay $0x1  }
0x27: {  	s23 =	ssub.s32 s22, s23  }
0x28: {  	p1 =	slt.u32 s22, $0x3;
	s23 =	sand.u32 $0xFF, s23  }
0x29: {  	s24 =	sadd.s32 @!p1 $0x6, s23  }
0x2a: {  	p2 =	sgt.u32 @!p1 s22, $0x7C;
	_ =	swait.ge @!p1 [sflag:s24], $0x2800  }
0x2b: {  	p2 =	por p1, !p2;
	[sflag:s24] =	ssyncset.done @!p1 $0x0  }
0x2c: {  	[sflag:s24] =	ssyncadd.s32 @!p1 $0xFFFFD800;
	s24 =	smul.u32 @p2 $0xA000, s23;
	_ =	sdelay $0x1  }
0x2d: {  	s29 =	sadd.s32 $0x2, s22;
	s24 =	sshrl.u32 @p2 s24, $0x2  }
0x2e: {  	s30 =	sand.u32 $0xFF, s29;
	s23 =	sadd.s32 @p2 $0x3, s23;
	s24 =	sadd.s32 @p2 $0x4E20, s24  }
0x2f: {  	[tilespmem:s24], [sflag:s23] =	stream.indirect.gather @p2 [hbm4b:s4+s18], $0x80, s21, s18, $0xb8;
	[tilespmem:$0x1FEA0] =	vst v63  }
0x30: {  	s24 =	smul.u32 $0xAB, s30;
	_ =	sdelay $0x1  }
0x31: {  	s24 =	sshrl.u32 s24, $0x9  }
0x32: {  	s24 =	smul.u32 $0x3, s24;
	_ =	sdelay $0x1  }
0x33: {  	s31 =	sadd.s32 $0xFFFFFFFF, s22;
	s23 =	ssub.s32 s29, s24  }
0x34: {  	p1 =	sgt.u32 s31, $0x7C;
	s23 =	sand.u32 $0xFF, s23  }
0x35: {  	s24 =	smul.u32 @!p1 $0xA000, s23;
	s25 =	sadd.s32 @!p1 $0x3, s23  }
0x36: {  	s22 =	sadd.s32 $0x1, s22;
	_ =	swait.ge @!p1 [sflag:s25], $0x2800  }
0x37: {  	s23 =	sadd.s32 @!p1 $0x6, s23;
	s24 =	sshrl.u32 @!p1 s24, $0x2;
	[sflag:s25] =	ssyncset.done @!p1 $0x0  }
0x38: {  	s24 =	sadd.s32 @!p1 $0x4E20, s24;
	[sflag:s25] =	ssyncadd.s32 @!p1 $0xFFFFD800;
	s25 =	simm.s32 @!p1 $0x50  }
0x39: {  	[spmem:s2] =	stream.indirect.scatter.add.f32 @!p1 [tilespmem:s24], [sflag:s23], $0x80, s20, s25, $0xb8;
	[tilespmem:$0x1FEA0] =	vst v63  }
0x3a: {  	p1 =	sne.s32 s22, $0x80  }
.Ltmp0:
0x3b: {  	_ = 	snop;
	(pc) =	sbr.rel @p1 .LBB2_2-.Ltmp0, $2  }
0x3c: {  	_ =	sdelay $0x2  }
0x3d: {  	s21 =	sadd.s32 $0x50, s21;
	s20 =	sadd.s32 $0x50, s20  }
0x3e: {  	[bflag:$0x0] =	sbarrier.arrive $0xFFFF  }
0x3f: {  	[hbm:s9], [sflag:s8] =	dma.local [spmem:s13], $0x2700  }
0x40: {  	s19 =	sadd.s32 $0x1, s19;
	_ =	swait.ge [sflag:s14], $0x2700  }
0x41: {  	p1 =	sne.s32 s19, s11;
	[sflag:s14] =	ssyncset.done $0x0  }
.Ltmp1:
0x42: {  	s20 =	simm.s32 @!p0 $0x9;
	[sflag:s14] =	ssyncadd.s32 $0xFFFFD900;
	(pc) =	sbr.rel @p1 .LBB2_1-.Ltmp1, $4  }
0x43: {  	[hbm:s10], [sflag:s8] =	dma.local @!p0 [spmem:s15], $0x100  }
0x44: {  	_ =	swait.ge @!p0 [sflag:s20], $0x100  }
0x45: {  	[sflag:s20] =	ssyncset.done @!p0 $0x0  }
0x46: {  	[sflag:s20] =	ssyncadd.s32 @!p0 $0xFFFFFF00  }
0x47: {  	_ =	sfence.sel $0x180000  }
0x48: {  	[bflag:$0x0] =	sbarrier.arrive $0xFFFF  }
0x49: {  	p0 =	sne.s32 s0, $0x0;
	_ =	strace $0x9000004A  }
0x4a: {  	s0 =	sadd.s32 @!p0 $0x100000, s1;
	[bflag:$0x2] =	sbarrier.arrive $0xFFFF  }
0x4b: {  	[sflag:s0] =	ssyncadd.tile.s32 @!p0 $0x1;
	_ =	shalt  }
.Lfunc_end2:
_tile_overlayer_lowered:
.L_overlay_start_2:
0x4c: {  	(tag) =	ssettag $0x2  }
0x4d: {  	s0 =	rddreg [dreg:$0x0];
	s2 =	stileid.u32  }
0x4e: {  	s1 =	rddreg [dreg:$0x1];
	p0 =	sne.s32 s2, $0x0  }
0x4f: {  	s3 =	rddreg [dreg:$0x2];
	[bflag:$0x3] =	sbarrier.arrive $0xFFFF;
	s2 =	simm.s32 @!p0 $0x1C09  }
0x50: {  	[timem:s3], [sflag:s2] =	dma.local @!p0 [hbm:s0], s1  }
0x51: {  	s0 =	simm.s32 @!p0 $0x9  }
0x52: {  	_ =	swait.ge @!p0 [sflag:s0], s1  }
0x53: {  	s1 =	ssub.s32 @!p0 $0x0, s1;
	[sflag:s0] =	ssyncset.done @!p0 $0x0  }
0x54: {  	[sflag:s0] =	ssyncadd.s32 @!p0 s1  }
0x55: {  	[bflag:$0x3] =	sbarrier.arrive $0xFFFF  }
0x56: {  	_ =	shalt  }

// kernel: kernel.14.cloned.1.call-start
scs
__scs_entry_jumppad:
0x0: {  	(pc) =	sbr.rel $0x88, $3  }
0x1: {  	(tag) =	ssettag $0x0;
	lr =	simm.s32 $0x1  }
0x2: {  	[smem:$0x3F99] =	sst lr;
	_ =	strace $0xD0000000  }
0x3: {  	_ = 	snop  }
0x4: {  	_ = 	snop  }
0x5: {  	_ = 	snop  }
0x6: {  	_ = 	snop  }
0x7: {  	_ = 	snop  }
__scs_overlays_trampoline_lowered:
0x8: {  	[smem:$0x3FA8] =	sst s0  }
0x9: {  	[smem:$0x3FA9] =	sst s1  }
0xa: {  	[smem:$0x3FAA] =	sst s2  }
0xb: {  	[smem:$0x3FAB] =	sst s3  }
0xc: {  	[smem:$0x3FAC] =	sst s4  }
0xd: {  	[smem:$0x3FAD] =	sst s5  }
0xe: {  	[smem:$0x3FAE] =	sst s6  }
0xf: {  	[smem:$0x3FAF] =	sst s7  }
0x10: {  	[smem:$0x3FB0] =	sst s8  }
0x11: {  	[smem:$0x3FB1] =	sst s9;
	s0 =	simm.s32 @!p0 $0x0  }
0x12: {  	s1 =	sld [smem:$0x3F97];
	s0 =	simm.s32 @p0 $0x1  }
0x13: {  	[smem:$0x3FB2] =	sst s0;
	s0 =	simm.s32 @!p1 $0x0  }
0x14: {  	s2 =	sld [smem:$0x3F96];
	s0 =	simm.s32 @p1 $0x1  }
0x15: {  	[smem:$0x3FB3] =	sst s0;
	s0 =	simm.s32 @!p2 $0x0  }
0x16: {  	s3 =	sld [smem:$0x3FDB];
	s0 =	simm.s32 @p2 $0x1  }
0x17: {  	s4 =	simm.s32 $0x1BF5;
	[smem:$0x3FB5] =	sst s0  }
0x18: {  	s0 =	sld [smem:$0x3F98];
	_ =	swait.ge [sflag:s4], $0x0  }
0x19: {  	s7 =	sld [smem:$0x3F99]  }
0x1a: {  	s8 =	sadd.s32 $0xFFFFE003, lr  }
0x1b: {  	s9 =	sadd.s32 $0xFFFFFEF7, lr;
	s5 =	simm.s32 $0xFFFFFFFF;
	p2 =	slt.u32 s8, $0xFFFFF086  }
0x1c: {  	p1 =	slt.u32 s9, $0xF7A;
	s5 =	simm.s32 @!p2 $0x0  }
0x1d: {  	s5 =	simm.s32 @p1 $0x1;
	p0 =	seq.s32 s7, s2  }
0x1e: {  	s7 =	smul.u32 @!p0 $0xF7A, s2;
	p2 =	seq.s32 @!p0 s5, $0x0  }
0x1f: {  	s9 =	smul.u32 $0xF7A, s1;
	s8 =	simm.s32 @!p0 $0x1BF5;
	p2 =	por !p2, p0  }
0x20: {  	[sflag:s8] =	ssyncset.s32 @!p0 $0xFFFFF086;
	s6 =	sadd.s32 @!p0 s3, s7;
	s7 =	simm.s32 @!p0 $0x108  }
0x21: {  	s3 =	sadd.s32 s3, s9;
	s6 =	sadd.s32 @!p0 $0x88, s6;
	s7 =	simm.s32 @p2 $0x1082  }
0x22: {  	[simem:s7], [sflag:s8] =	dma.local @!p0 [hbm:s6], $0xF7A  }
0x23: {  	s9 =	sor.u32 $0xD0000000, s2;
	s6 =	simm.s32 $0x108;
	_ =	swait.ge @!p0 [sflag:s8], $0x0  }
0x24: {  	s3 =	sadd.s32 $0x88, s3;
	s6 =	simm.s32 @!p1 $0x1082;
	[sflag:s4] =	ssyncset.s32 $0xFFFFF086  }
0x25: {  	[simem:s6], [sflag:s4] =	dma.local [hbm:s3], $0xF7A  }
0x26: {  	[smem:$0x3F99] =	sst s1;
	(tag) =	ssettag s2;
	_ =	strace s9  }
0x27: {  	s1 =	sld [smem:$0x3FA9]  }
0x28: {  	s2 =	sld [smem:$0x3FAA]  }
0x29: {  	s4 =	sld [smem:$0x3FAC]  }
0x2a: {  	p0 =	seq.s32 s5, $0x0;
	s5 =	sld [smem:$0x3FAD]  }
0x2b: {  	s6 =	sld [smem:$0x3FAE]  }
0x2c: {  	s7 =	sld [smem:$0x3FAF]  }
0x2d: {  	s3 =	simm.s32 $0x108;
	s8 =	sld [smem:$0x3FB0]  }
0x2e: {  	s3 =	simm.s32 @!p0 $0x1082;
	s9 =	sld [smem:$0x3FB1]  }
0x2f: {  	lr =	sadd.s32 s0, s3;
	s0 =	sld [smem:$0x3FA8]  }
0x30: {  	s3 =	sld [smem:$0x3FAB]  }
0x31: {  	[smem:$0x3FB4] =	sst s10  }
0x32: {  	s10 =	sld [smem:$0x3FB2];
	_ =	sdelay $0x3  }
0x33: {  	p0 =	seq.s32 s10, $0x1;
	s10 =	sld [smem:$0x3FB4];
	_ =	sdelay $0x3  }
0x34: {  	[smem:$0x3FB4] =	sst s10  }
0x35: {  	s10 =	sld [smem:$0x3FB3];
	_ =	sdelay $0x3  }
0x36: {  	p1 =	seq.s32 s10, $0x1;
	s10 =	sld [smem:$0x3FB4];
	_ =	sdelay $0x3  }
0x37: {  	[smem:$0x3FB4] =	sst s10  }
0x38: {  	s10 =	sld [smem:$0x3FB5]  }
0x39: {  	_ = 	snop;
	(pc) =	sbr.ind lr, $3  }
0x3a: {  	_ = 	snop  }
0x3b: {  	_ = 	snop  }
0x3c: {  	p2 =	seq.s32 s10, $0x1;
	s10 =	sld [smem:$0x3FB4]  }
0x3d: {  	_ =	shalt  }
0x3e: {  	_ =	shalt  }
0x3f: {  	_ =	shalt  }
0x40: {  	_ =	shalt  }
0x41: {  	_ =	shalt  }
0x42: {  	_ =	shalt  }
0x43: {  	_ =	shalt  }
0x44: {  	_ =	shalt  }
0x45: {  	_ =	shalt  }
0x46: {  	_ =	shalt  }
0x47: {  	_ =	shalt  }
0x48: {  	_ =	shalt  }
0x49: {  	_ =	shalt  }
0x4a: {  	_ =	shalt  }
0x4b: {  	_ =	shalt  }
0x4c: {  	_ =	shalt  }
0x4d: {  	_ =	shalt  }
0x4e: {  	_ =	shalt  }
0x4f: {  	_ =	shalt  }
0x50: {  	_ =	shalt  }
0x51: {  	_ =	shalt  }
0x52: {  	_ =	shalt  }
0x53: {  	_ =	shalt  }
0x54: {  	_ =	shalt  }
0x55: {  	_ =	shalt  }
0x56: {  	_ =	shalt  }
0x57: {  	_ =	shalt  }
0x58: {  	_ =	shalt  }
0x59: {  	_ =	shalt  }
0x5a: {  	_ =	shalt  }
0x5b: {  	_ =	shalt  }
0x5c: {  	_ =	shalt  }
0x5d: {  	_ =	shalt  }
0x5e: {  	_ =	shalt  }
0x5f: {  	_ =	shalt  }
0x60: {  	_ =	shalt  }
0x61: {  	_ =	shalt  }
0x62: {  	_ =	shalt  }
0x63: {  	_ =	shalt  }
0x64: {  	_ =	shalt  }
0x65: {  	_ =	shalt  }
0x66: {  	_ =	shalt  }
0x67: {  	_ =	shalt  }
0x68: {  	_ =	shalt  }
0x69: {  	_ =	shalt  }
0x6a: {  	_ =	shalt  }
0x6b: {  	_ =	shalt  }
0x6c: {  	_ =	shalt  }
0x6d: {  	_ =	shalt  }
0x6e: {  	_ =	shalt  }
0x6f: {  	_ =	shalt  }
0x70: {  	_ =	shalt  }
0x71: {  	_ =	shalt  }
0x72: {  	_ =	shalt  }
0x73: {  	_ =	shalt  }
0x74: {  	_ =	shalt  }
0x75: {  	_ =	shalt  }
0x76: {  	_ =	shalt  }
0x77: {  	_ =	shalt  }
0x78: {  	_ =	shalt  }
0x79: {  	_ =	shalt  }
0x7a: {  	_ =	shalt  }
0x7b: {  	_ =	shalt  }
0x7c: {  	_ =	shalt  }
0x7d: {  	_ =	shalt  }
0x7e: {  	_ =	shalt  }
0x7f: {  	_ =	shalt  }
0x80: {  	_ =	shalt  }
0x81: {  	_ =	shalt  }
0x82: {  	_ =	shalt  }
0x83: {  	_ =	shalt  }
0x84: {  	_ =	shalt  }
0x85: {  	_ =	shalt  }
0x86: {  	_ =	shalt  }
0x87: {  	_ =	shalt  }
.Lfunc_end0:
.L_simem_size_0:
called_computation.2_lowered:
.L_overlay_start_0:
0x88: {  	s2 =	sld [smem:$0x3FD9]  }
0x89: {  	s3 =	sld [smem:$0x3FFE];
	_ =	sdelay $0x1  }
0x8a: {  	s1 =	srdreg.scid  }
0x8b: {  	s0 =	sand.u32 $0x1, s1  }
0x8c: {  	s17 =	sshll.u32 s0, $0xA;
	s2 =	sadd.s32 s3, s2  }
0x8d: {  	s2 =	sadd.s32 s2, s17  }
0x8e: {  	[smem:$0x3FC0] =	sst s2  }
0x8f: {  	_ = 	snop  }
0x90: {  	s2 =	sld [smem:$0x3FD0];
	(tm) =	ssettm $0x1  }
0x91: {  	s18 =	sld [smem:$0x3FFB];
	_ =	sdelay $0x3  }
0x92: {  	_ =	strace s18  }
0x93: {  	s3 =	sld [smem:$0x3FFC];
	_ =	sdelay $0x3  }
0x94: {  	_ =	strace s3  }
0x95: {  	s3 =	sld [smem:$0x3FFD];
	_ =	sdelay $0x3  }
0x96: {  	_ =	strace s3  }
0x97: {  	_ =	strace $0x8FFFFFFF  }
0x98: {  	s19 =	sld [smem:$0x3FDB];
	_ =	sdelay $0x1  }
0x99: {  	s4 =	simm.s32 $_scs_section_size  }
0x9a: {  	s5 =	simm.s32 $_size__tile_overlayer_lowered;
	s6 =	simm.s32 $_tile_overlayer_lowered  }
0x9b: {  	s22 =	simm.s32 $0x1BFF;
	s21 =	sshll.u32 s6, $0x1;
	s3 =	sadd.s32 s4, s19  }
0x9c: {  	s7 =	simm.s32 $0x0;
	s20 =	sshll.u32 s5, $0x1;
	s5 =	sadd.s32 s21, s3  }
0x9d: {  	[timem:s7], [sflag:s22] =	dma.local [hbm:s5], s20  }
0x9e: {  	_ =	swait.ge [sflag:s22], s20  }
0x9f: {  	s4 =	ssub.s32 $0x0, s20;
	[sflag:s22] =	ssyncset.done $0x0  }
0xa0: {  	[sflag:s22] =	ssyncadd.s32 s4;
	_ =	sdelay $0x1  }
0xa1: {  	s23 =	simm.s32 $0x1B8B  }
0xa2: {  	_ =	swait.ge [sflag:s23], $0x1  }
0xa3: {  	[sflag:s23] =	ssyncset.done $0x0  }
0xa4: {  	s25 =	simm.s32 $0x1B8E;
	s24 =	sld [smem:$0x3FFE];
	[sflag:s23] =	ssyncadd.s32 $0xFFFFFFFF  }
0xa5: {  	s26 =	simm.s32 $execute0_lowered;
	[smem:$0x3FD2] =	sst s25  }
0xa6: {  	s5 =	sshll.u32 s26, $0x1;
	_ =	strace $0x8000004C;
	[dreg:$0x1] =	wrdreg $0xFFFFFFFF  }
0xa7: {  	s28 =	simm.s32 $_size_execute0_lowered;
	s3 =	sadd.s32 s3, s5;
	[dreg:$0x0] =	wrdreg $0x0  }
0xa8: {  	s5 =	sshll.u32 s28, $0x1;
	[dreg:$0x2] =	wrdreg s3  }
0xa9: {  	[dreg:$0x3] =	wrdreg s5  }
0xaa: {  	[dreg:$0x4] =	wrdreg $0xC0  }
0xab: {  	_ =	task [dreg:s7], $0x5FFFF  }
0xac: {  	[dreg:$0x1] =	wrdreg $0xFFFFFFFF  }
0xad: {  	[dreg:$0x0] =	wrdreg $0x60  }
0xae: {  	[dreg:$0x2] =	wrdreg s24  }
0xaf: {  	[dreg:$0x3] =	wrdreg s2  }
0xb0: {  	[dreg:$0x4] =	wrdreg $0xC6200  }
0xb1: {  	[dreg:$0x5] =	wrdreg $0x9  }
0xb2: {  	_ =	task.clear_ibuf [dreg:s7], $0x6FFFF;
	_ =	strace $0x9000004C  }
0xb3: {  	s29 =	simm.s32 $0x9;
	_ =	strace $0x8000004E  }
0xb4: {  	_ =	swait.ge [sflag:s29], $0x1  }
0xb5: {  	[sflag:s29] =	ssyncadd.s32 $0xFFFFFFFF  }
0xb6: {  	_ =	strace $0x9000004E  }
0xb7: {  	_ =	sfence  }
0xb8: {  	s30 =	sld [smem:$0x0];
	_ =	sdelay $0x2  }
0xb9: {  	s31 =	sshll.u32 s1, $0xD;
	s1 =	sshrl.u32 s1, $0x2  }
0xba: {  	s3 =	sand.u32 $0x4000, s31;
	s1 =	sadd.s32 s1, s30  }
0xbb: {  	s0 =	sor.u32 s3, s0;
	s1 =	sshll.u32 s1, $0x11  }
0xbc: {  	s0 =	sor.u32 s1, s0  }
0xbd: {  	s0 =	sadd.s32 $0x8F2B, s0  }
0xbe: {  	[sflag:s0] =	ssyncadd.remote.s32 $0x1  }
0xbf: {  	_ =	sfence.sel $0xFFFF  }
0xc0: {  	[dreg:$0x0] =	wrdreg $0xFFFFFFFF;
	(pc) =	sbr.abs _section_cstart, $3  }
0xc1: {  	[dreg:$0x1] =	wrdreg $0xFFFFFFFF  }
0xc2: {  	_ =	task.clear_ibuf [dreg:s7], $0x2FFFF;
	_ =	strace $0x9FFFFFFF  }
0xc3: {  	(tm) =	ssettm $0x7FFFFFFF  }
tec
execute0_lowered:
.L_overlay_start_1:
0x0: {  	(tag) =	ssettag $0x1  }
0x1: {  	s5 =	rddreg [dreg:$0x0]  }
0x2: {  	s1 =	srdreg.scid;
	s9 =	rddreg [dreg:$0x1]  }
0x3: {  	s0 =	stileid.u32;
	s2 =	rddreg [dreg:$0x2]  }
0x4: {  	s3 =	simm.s32 $0x0;
	s14 =	simm.s32 $0x9;
	s16 =	simm.s32 $0x1  }
0x5: {  	s17 =	simm.s32 $0x2;
	s18 =	simm.s32 $0x50;
	s19 =	simm.s32 $0x0  }
0x6: {  	s7 =	sand.u32 $0x1, s1;
	s28 =	sshll.u32 s0, $0x1;
	s1 =	rddreg [dreg:$0x3]  }
0x7: {  	[smem:$0x7FF] =	sst s3;
	s11 =	smul.u32 $0x13800, s0;
	s31 =	sshll.u32 s0, $0x6  }
0x8: {  	s15 =	sadd.s32 $0x138000, s2;
	p0 =	sne.s32 s0, $0xF;
	s4 =	sor.u32 s7, s28  }
0x9: {  	_ =	strace $0x8000004D;
	s29 =	ssub.s32 $0x2, s7;
	s30 =	smul.u32 $0x138800, s7  }
0xa: {  	s15 =	sshrl.u32 @!p0 s15, $0x3;
	s4 =	smul.u32 $0x2710, s4;
	s10 =	sshrl.u32 s29, $0x1  }
0xb: {  	s13 =	sadd.s32 s11, s2;
	s12 =	ssub.s32 s29, s10;
	s11 =	sadd.s32 s11, s30  }
0xc: {  	s10 =	sshrl.u32 s30, $0x3;
	s13 =	sshrl.u32 s13, $0x3;
	s6 =	sshrl.u32 s4, $0x3  }
0xd: {  	s4 =	sadd.s32 $0x16600, s5;
	s11 =	sshrl.u32 s11, $0x3;
	s10 =	sadd.s32 s9, s10  }
0xe: {  	s8 =	sadd.s32 s6, s5;
	s5 =	sadd.s32 $0x3D800, s5;
	s9 =	sadd.s32 s9, s11  }
0xf: {  	s10 =	sadd.s32 $0x27000, s10;
	s11 =	smax.u32 s12, $0x1;
	s12 =	simm.s32 $0x2710  }
0x10: {  	s6 =	sadd.s32 $0x2C00, s8;
	s7 =	sadd.s32 $0xC840, s8;
	s8 =	sor.u32 $0x1C09, s31  }
.LBB2_1:
0x11: {  	[tilespmem:s3], [sflag:$0x1] =	stream.linear.gather [hbm4b:s6+s3], $0x2710, $0x38;
	[tilespmem:$0x1FEA0] =	vst v63  }
0x12: {  	_ = 	snop  }
0x13: {  	[tilespmem:s12], [sflag:$0x2] =	stream.linear.gather [hbm4b:s7+s3], $0x2710, $0x38;
	[tilespmem:$0x1FEA0] =	vst v63  }
0x14: {  	[spmem:s13], [sflag:s8] =	dma.local [hbm:s5], $0x2700  }
0x15: {  	_ =	swait.ge [sflag:s14], $0x2700  }
0x16: {  	[sflag:s14] =	ssyncset.done $0x0  }
0x17: {  	s20 =	simm.s32 @!p0 $0x9;
	[sflag:s14] =	ssyncadd.s32 $0xFFFFD900  }
0x18: {  	[spmem:s15], [sflag:s8] =	dma.local @!p0 [hbm:s5], $0x100  }
0x19: {  	_ =	swait.ge @!p0 [sflag:s20], $0x100  }
0x1a: {  	[sflag:s20] =	ssyncset.done @!p0 $0x0  }
0x1b: {  	[sflag:s20] =	ssyncadd.s32 @!p0 $0xFFFFFF00  }
0x1c: {  	_ =	swait.ge [sflag:s16], $0x2710  }
0x1d: {  	[sflag:s16] =	ssyncset.done $0x0  }
0x1e: {  	[sflag:s16] =	ssyncadd.s32 $0xFFFFD8F0  }
0x1f: {  	_ =	swait.ge [sflag:s17], $0x2710  }
0x20: {  	[sflag:s17] =	ssyncset.done $0x0  }
0x21: {  	s21 =	simm.s32 $0x0;
	[sflag:s17] =	ssyncadd.s32 $0xFFFFD8F0  }
0x22: {  	s22 =	simm.s32 $0x0;
	s20 =	simm.s32 $0x26C0;
	[bflag:$0x0] =	sbarrier.arrive $0xFFFF  }
.LBB2_2:
0x23: {  	s23 =	smul.u32 $0xAB, s22;
	_ =	sdelay $0x1  }
0x24: {  	s23 =	sshrl.u32 s23, $0x9  }
0x25: {  	s23 =	sand.u32 $0x7F, s23  }
0x26: {  	s23 =	smul.u32 $0x3, s23;
	_ =	sdelay $0x1  }
0x27: {  	s23 =	ssub.s32 s22, s23  }
0x28: {  	p1 =	slt.u32 s22, $0x3;
	s23 =	sand.u32 $0xFF, s23  }
0x29: {  	s24 =	sadd.s32 @!p1 $0x6, s23  }
0x2a: {  	p2 =	sgt.u32 @!p1 s22, $0x7C;
	_ =	swait.ge @!p1 [sflag:s24], $0x2800  }
0x2b: {  	p2 =	por p1, !p2;
	[sflag:s24] =	ssyncset.done @!p1 $0x0  }
0x2c: {  	[sflag:s24] =	ssyncadd.s32 @!p1 $0xFFFFD800;
	s24 =	smul.u32 @p2 $0xA000, s23;
	_ =	sdelay $0x1  }
0x2d: {  	s29 =	sadd.s32 $0x2, s22;
	s24 =	sshrl.u32 @p2 s24, $0x2  }
0x2e: {  	s30 =	sand.u32 $0xFF, s29;
	s23 =	sadd.s32 @p2 $0x3, s23;
	s24 =	sadd.s32 @p2 $0x4E20, s24  }
0x2f: {  	[tilespmem:s24], [sflag:s23] =	stream.indirect.gather @p2 [hbm4b:s4+s18], $0x80, s21, s18, $0xb8;
	[tilespmem:$0x1FEA0] =	vst v63  }
0x30: {  	s24 =	smul.u32 $0xAB, s30;
	_ =	sdelay $0x1  }
0x31: {  	s24 =	sshrl.u32 s24, $0x9  }
0x32: {  	s24 =	smul.u32 $0x3, s24;
	_ =	sdelay $0x1  }
0x33: {  	s31 =	sadd.s32 $0xFFFFFFFF, s22;
	s23 =	ssub.s32 s29, s24  }
0x34: {  	p1 =	sgt.u32 s31, $0x7C;
	s23 =	sand.u32 $0xFF, s23  }
0x35: {  	s24 =	smul.u32 @!p1 $0xA000, s23;
	s25 =	sadd.s32 @!p1 $0x3, s23  }
0x36: {  	s22 =	sadd.s32 $0x1, s22;
	_ =	swait.ge @!p1 [sflag:s25], $0x2800  }
0x37: {  	s23 =	sadd.s32 @!p1 $0x6, s23;
	s24 =	sshrl.u32 @!p1 s24, $0x2;
	[sflag:s25] =	ssyncset.done @!p1 $0x0  }
0x38: {  	s24 =	sadd.s32 @!p1 $0x4E20, s24;
	[sflag:s25] =	ssyncadd.s32 @!p1 $0xFFFFD800;
	s25 =	simm.s32 @!p1 $0x50  }
0x39: {  	[spmem:s2] =	stream.indirect.scatter.add.f32 @!p1 [tilespmem:s24], [sflag:s23], $0x80, s20, s25, $0xb8;
	[tilespmem:$0x1FEA0] =	vst v63  }
0x3a: {  	p1 =	sne.s32 s22, $0x80  }
.Ltmp0:
0x3b: {  	_ = 	snop;
	(pc) =	sbr.rel @p1 .LBB2_2-.Ltmp0, $2  }
0x3c: {  	_ =	sdelay $0x2  }
0x3d: {  	s21 =	sadd.s32 $0x50, s21;
	s20 =	sadd.s32 $0x50, s20  }
0x3e: {  	[bflag:$0x0] =	sbarrier.arrive $0xFFFF  }
0x3f: {  	[hbm:s9], [sflag:s8] =	dma.local [spmem:s13], $0x2700  }
0x40: {  	s19 =	sadd.s32 $0x1, s19;
	_ =	swait.ge [sflag:s14], $0x2700  }
0x41: {  	p1 =	sne.s32 s19, s11;
	[sflag:s14] =	ssyncset.done $0x0  }
.Ltmp1:
0x42: {  	s20 =	simm.s32 @!p0 $0x9;
	[sflag:s14] =	ssyncadd.s32 $0xFFFFD900;
	(pc) =	sbr.rel @p1 .LBB2_1-.Ltmp1, $4  }
0x43: {  	[hbm:s10], [sflag:s8] =	dma.local @!p0 [spmem:s15], $0x100  }
0x44: {  	_ =	swait.ge @!p0 [sflag:s20], $0x100  }
0x45: {  	[sflag:s20] =	ssyncset.done @!p0 $0x0  }
0x46: {  	[sflag:s20] =	ssyncadd.s32 @!p0 $0xFFFFFF00  }
0x47: {  	_ =	sfence.sel $0x180000  }
0x48: {  	[bflag:$0x0] =	sbarrier.arrive $0xFFFF  }
0x49: {  	p0 =	sne.s32 s0, $0x0;
	_ =	strace $0x9000004D  }
0x4a: {  	s0 =	sadd.s32 @!p0 $0x100000, s1;
	[bflag:$0x2] =	sbarrier.arrive $0xFFFF  }
0x4b: {  	[sflag:s0] =	ssyncadd.tile.s32 @!p0 $0x1;
	_ =	shalt  }
.Lfunc_end2:
_tile_overlayer_lowered:
.L_overlay_start_2:
0x4c: {  	(tag) =	ssettag $0x2  }
0x4d: {  	s0 =	rddreg [dreg:$0x0];
	s2 =	stileid.u32  }
0x4e: {  	s1 =	rddreg [dreg:$0x1];
	p0 =	sne.s32 s2, $0x0  }
0x4f: {  	s3 =	rddreg [dreg:$0x2];
	[bflag:$0x3] =	sbarrier.arrive $0xFFFF;
	s2 =	simm.s32 @!p0 $0x1C09  }
0x50: {  	[timem:s3], [sflag:s2] =	dma.local @!p0 [hbm:s0], s1  }
0x51: {  	s0 =	simm.s32 @!p0 $0x9  }
0x52: {  	_ =	swait.ge @!p0 [sflag:s0], s1  }
0x53: {  	s1 =	ssub.s32 @!p0 $0x0, s1;
	[sflag:s0] =	ssyncset.done @!p0 $0x0  }
0x54: {  	[sflag:s0] =	ssyncadd.s32 @!p0 s1  }
0x55: {  	[bflag:$0x3] =	sbarrier.arrive $0xFFFF  }
0x56: {  	_ =	shalt  }

// kernel: kernel.8.cloned.1.call-start
scs
__scs_entry_jumppad:
0x0: {  	(pc) =	sbr.rel $0x88, $3  }
0x1: {  	(tag) =	ssettag $0x0;
	lr =	simm.s32 $0x1  }
0x2: {  	[smem:$0x3F99] =	sst lr;
	_ =	strace $0xD0000000  }
0x3: {  	_ = 	snop  }
0x4: {  	_ = 	snop  }
0x5: {  	_ = 	snop  }
0x6: {  	_ = 	snop  }
0x7: {  	_ = 	snop  }
__scs_overlays_trampoline_lowered:
0x8: {  	[smem:$0x3FA8] =	sst s0  }
0x9: {  	[smem:$0x3FA9] =	sst s1  }
0xa: {  	[smem:$0x3FAA] =	sst s2  }
0xb: {  	[smem:$0x3FAB] =	sst s3  }
0xc: {  	[smem:$0x3FAC] =	sst s4  }
0xd: {  	[smem:$0x3FAD] =	sst s5  }
0xe: {  	[smem:$0x3FAE] =	sst s6  }
0xf: {  	[smem:$0x3FAF] =	sst s7  }
0x10: {  	[smem:$0x3FB0] =	sst s8  }
0x11: {  	[smem:$0x3FB1] =	sst s9;
	s0 =	simm.s32 @!p0 $0x0  }
0x12: {  	s1 =	sld [smem:$0x3F97];
	s0 =	simm.s32 @p0 $0x1  }
0x13: {  	[smem:$0x3FB2] =	sst s0;
	s0 =	simm.s32 @!p1 $0x0  }
0x14: {  	s2 =	sld [smem:$0x3F96];
	s0 =	simm.s32 @p1 $0x1  }
0x15: {  	[smem:$0x3FB3] =	sst s0;
	s0 =	simm.s32 @!p2 $0x0  }
0x16: {  	s3 =	sld [smem:$0x3FDB];
	s0 =	simm.s32 @p2 $0x1  }
0x17: {  	s4 =	simm.s32 $0x1BF5;
	[smem:$0x3FB5] =	sst s0  }
0x18: {  	s0 =	sld [smem:$0x3F98];
	_ =	swait.ge [sflag:s4], $0x0  }
0x19: {  	s7 =	sld [smem:$0x3F99]  }
0x1a: {  	s8 =	sadd.s32 $0xFFFFE003, lr  }
0x1b: {  	s9 =	sadd.s32 $0xFFFFFEF7, lr;
	s5 =	simm.s32 $0xFFFFFFFF;
	p2 =	slt.u32 s8, $0xFFFFF086  }
0x1c: {  	p1 =	slt.u32 s9, $0xF7A;
	s5 =	simm.s32 @!p2 $0x0  }
0x1d: {  	s5 =	simm.s32 @p1 $0x1;
	p0 =	seq.s32 s7, s2  }
0x1e: {  	s7 =	smul.u32 @!p0 $0xF7A, s2;
	p2 =	seq.s32 @!p0 s5, $0x0  }
0x1f: {  	s9 =	smul.u32 $0xF7A, s1;
	s8 =	simm.s32 @!p0 $0x1BF5;
	p2 =	por !p2, p0  }
0x20: {  	[sflag:s8] =	ssyncset.s32 @!p0 $0xFFFFF086;
	s6 =	sadd.s32 @!p0 s3, s7;
	s7 =	simm.s32 @!p0 $0x108  }
0x21: {  	s3 =	sadd.s32 s3, s9;
	s6 =	sadd.s32 @!p0 $0x88, s6;
	s7 =	simm.s32 @p2 $0x1082  }
0x22: {  	[simem:s7], [sflag:s8] =	dma.local @!p0 [hbm:s6], $0xF7A  }
0x23: {  	s9 =	sor.u32 $0xD0000000, s2;
	s6 =	simm.s32 $0x108;
	_ =	swait.ge @!p0 [sflag:s8], $0x0  }
0x24: {  	s3 =	sadd.s32 $0x88, s3;
	s6 =	simm.s32 @!p1 $0x1082;
	[sflag:s4] =	ssyncset.s32 $0xFFFFF086  }
0x25: {  	[simem:s6], [sflag:s4] =	dma.local [hbm:s3], $0xF7A  }
0x26: {  	[smem:$0x3F99] =	sst s1;
	(tag) =	ssettag s2;
	_ =	strace s9  }
0x27: {  	s1 =	sld [smem:$0x3FA9]  }
0x28: {  	s2 =	sld [smem:$0x3FAA]  }
0x29: {  	s4 =	sld [smem:$0x3FAC]  }
0x2a: {  	p0 =	seq.s32 s5, $0x0;
	s5 =	sld [smem:$0x3FAD]  }
0x2b: {  	s6 =	sld [smem:$0x3FAE]  }
0x2c: {  	s7 =	sld [smem:$0x3FAF]  }
0x2d: {  	s3 =	simm.s32 $0x108;
	s8 =	sld [smem:$0x3FB0]  }
0x2e: {  	s3 =	simm.s32 @!p0 $0x1082;
	s9 =	sld [smem:$0x3FB1]  }
0x2f: {  	lr =	sadd.s32 s0, s3;
	s0 =	sld [smem:$0x3FA8]  }
0x30: {  	s3 =	sld [smem:$0x3FAB]  }
0x31: {  	[smem:$0x3FB4] =	sst s10  }
0x32: {  	s10 =	sld [smem:$0x3FB2];
	_ =	sdelay $0x3  }
0x33: {  	p0 =	seq.s32 s10, $0x1;
	s10 =	sld [smem:$0x3FB4];
	_ =	sdelay $0x3  }
0x34: {  	[smem:$0x3FB4] =	sst s10  }
0x35: {  	s10 =	sld [smem:$0x3FB3];
	_ =	sdelay $0x3  }
0x36: {  	p1 =	seq.s32 s10, $0x1;
	s10 =	sld [smem:$0x3FB4];
	_ =	sdelay $0x3  }
0x37: {  	[smem:$0x3FB4] =	sst s10  }
0x38: {  	s10 =	sld [smem:$0x3FB5]  }
0x39: {  	_ = 	snop;
	(pc) =	sbr.ind lr, $3  }
0x3a: {  	_ = 	snop  }
0x3b: {  	_ = 	snop  }
0x3c: {  	p2 =	seq.s32 s10, $0x1;
	s10 =	sld [smem:$0x3FB4]  }
0x3d: {  	_ =	shalt  }
0x3e: {  	_ =	shalt  }
0x3f: {  	_ =	shalt  }
0x40: {  	_ =	shalt  }
0x41: {  	_ =	shalt  }
0x42: {  	_ =	shalt  }
0x43: {  	_ =	shalt  }
0x44: {  	_ =	shalt  }
0x45: {  	_ =	shalt  }
0x46: {  	_ =	shalt  }
0x47: {  	_ =	shalt  }
0x48: {  	_ =	shalt  }
0x49: {  	_ =	shalt  }
0x4a: {  	_ =	shalt  }
0x4b: {  	_ =	shalt  }
0x4c: {  	_ =	shalt  }
0x4d: {  	_ =	shalt  }
0x4e: {  	_ =	shalt  }
0x4f: {  	_ =	shalt  }
0x50: {  	_ =	shalt  }
0x51: {  	_ =	shalt  }
0x52: {  	_ =	shalt  }
0x53: {  	_ =	shalt  }
0x54: {  	_ =	shalt  }
0x55: {  	_ =	shalt  }
0x56: {  	_ =	shalt  }
0x57: {  	_ =	shalt  }
0x58: {  	_ =	shalt  }
0x59: {  	_ =	shalt  }
0x5a: {  	_ =	shalt  }
0x5b: {  	_ =	shalt  }
0x5c: {  	_ =	shalt  }
0x5d: {  	_ =	shalt  }
0x5e: {  	_ =	shalt  }
0x5f: {  	_ =	shalt  }
0x60: {  	_ =	shalt  }
0x61: {  	_ =	shalt  }
0x62: {  	_ =	shalt  }
0x63: {  	_ =	shalt  }
0x64: {  	_ =	shalt  }
0x65: {  	_ =	shalt  }
0x66: {  	_ =	shalt  }
0x67: {  	_ =	shalt  }
0x68: {  	_ =	shalt  }
0x69: {  	_ =	shalt  }
0x6a: {  	_ =	shalt  }
0x6b: {  	_ =	shalt  }
0x6c: {  	_ =	shalt  }
0x6d: {  	_ =	shalt  }
0x6e: {  	_ =	shalt  }
0x6f: {  	_ =	shalt  }
0x70: {  	_ =	shalt  }
0x71: {  	_ =	shalt  }
0x72: {  	_ =	shalt  }
0x73: {  	_ =	shalt  }
0x74: {  	_ =	shalt  }
0x75: {  	_ =	shalt  }
0x76: {  	_ =	shalt  }
0x77: {  	_ =	shalt  }
0x78: {  	_ =	shalt  }
0x79: {  	_ =	shalt  }
0x7a: {  	_ =	shalt  }
0x7b: {  	_ =	shalt  }
0x7c: {  	_ =	shalt  }
0x7d: {  	_ =	shalt  }
0x7e: {  	_ =	shalt  }
0x7f: {  	_ =	shalt  }
0x80: {  	_ =	shalt  }
0x81: {  	_ =	shalt  }
0x82: {  	_ =	shalt  }
0x83: {  	_ =	shalt  }
0x84: {  	_ =	shalt  }
0x85: {  	_ =	shalt  }
0x86: {  	_ =	shalt  }
0x87: {  	_ =	shalt  }
.Lfunc_end0:
.L_simem_size_0:
called_computation_lowered:
.L_overlay_start_0:
0x88: {  	s2 =	sld [smem:$0x3FD9]  }
0x89: {  	s3 =	sld [smem:$0x3FFE];
	_ =	sdelay $0x1  }
0x8a: {  	s1 =	srdreg.scid  }
0x8b: {  	s0 =	sand.u32 $0x1, s1  }
0x8c: {  	s17 =	sshll.u32 s0, $0xA;
	s2 =	sadd.s32 s3, s2  }
0x8d: {  	s2 =	sadd.s32 s2, s17  }
0x8e: {  	[smem:$0x3FC0] =	sst s2  }
0x8f: {  	_ = 	snop  }
0x90: {  	s2 =	sld [smem:$0x3FD0];
	(tm) =	ssettm $0x1  }
0x91: {  	s18 =	sld [smem:$0x3FFB];
	_ =	sdelay $0x3  }
0x92: {  	_ =	strace s18  }
0x93: {  	s3 =	sld [smem:$0x3FFC];
	_ =	sdelay $0x3  }
0x94: {  	_ =	strace s3  }
0x95: {  	s3 =	sld [smem:$0x3FFD];
	_ =	sdelay $0x3  }
0x96: {  	_ =	strace s3  }
0x97: {  	_ =	strace $0x8FFFFFFF  }
0x98: {  	s19 =	sld [smem:$0x3FDB];
	_ =	sdelay $0x1  }
0x99: {  	s4 =	simm.s32 $_scs_section_size  }
0x9a: {  	s5 =	simm.s32 $_size__tile_overlayer_lowered;
	s6 =	simm.s32 $_tile_overlayer_lowered  }
0x9b: {  	s22 =	simm.s32 $0x1BFF;
	s21 =	sshll.u32 s6, $0x1;
	s3 =	sadd.s32 s4, s19  }
0x9c: {  	s7 =	simm.s32 $0x0;
	s20 =	sshll.u32 s5, $0x1;
	s5 =	sadd.s32 s21, s3  }
0x9d: {  	[timem:s7], [sflag:s22] =	dma.local [hbm:s5], s20  }
0x9e: {  	_ =	swait.ge [sflag:s22], s20  }
0x9f: {  	s4 =	ssub.s32 $0x0, s20;
	[sflag:s22] =	ssyncset.done $0x0  }
0xa0: {  	[sflag:s22] =	ssyncadd.s32 s4;
	_ =	sdelay $0x1  }
0xa1: {  	s23 =	simm.s32 $0x1B8B  }
0xa2: {  	_ =	swait.ge [sflag:s23], $0x1  }
0xa3: {  	[sflag:s23] =	ssyncset.done $0x0  }
0xa4: {  	s25 =	simm.s32 $0x1B8E;
	s24 =	sld [smem:$0x3FFE];
	[sflag:s23] =	ssyncadd.s32 $0xFFFFFFFF  }
0xa5: {  	s26 =	simm.s32 $execute0_lowered;
	[smem:$0x3FD2] =	sst s25  }
0xa6: {  	s5 =	sshll.u32 s26, $0x1;
	_ =	strace $0x80000046;
	[dreg:$0x1] =	wrdreg $0xFFFFFFFF  }
0xa7: {  	s28 =	simm.s32 $_size_execute0_lowered;
	s3 =	sadd.s32 s3, s5;
	[dreg:$0x0] =	wrdreg $0x0  }
0xa8: {  	s5 =	sshll.u32 s28, $0x1;
	[dreg:$0x2] =	wrdreg s3  }
0xa9: {  	[dreg:$0x3] =	wrdreg s5  }
0xaa: {  	[dreg:$0x4] =	wrdreg $0xC0  }
0xab: {  	_ =	task [dreg:s7], $0x5FFFF  }
0xac: {  	[dreg:$0x1] =	wrdreg $0xFFFFFFFF  }
0xad: {  	[dreg:$0x0] =	wrdreg $0x60  }
0xae: {  	[dreg:$0x2] =	wrdreg s24  }
0xaf: {  	[dreg:$0x3] =	wrdreg s2  }
0xb0: {  	[dreg:$0x4] =	wrdreg $0x29900  }
0xb1: {  	[dreg:$0x5] =	wrdreg $0x9  }
0xb2: {  	_ =	task.clear_ibuf [dreg:s7], $0x6FFFF;
	_ =	strace $0x90000046  }
0xb3: {  	s29 =	simm.s32 $0x9;
	_ =	strace $0x80000048  }
0xb4: {  	_ =	swait.ge [sflag:s29], $0x1  }
0xb5: {  	[sflag:s29] =	ssyncadd.s32 $0xFFFFFFFF  }
0xb6: {  	_ =	strace $0x90000048  }
0xb7: {  	_ =	sfence  }
0xb8: {  	s30 =	sld [smem:$0x0];
	_ =	sdelay $0x2  }
0xb9: {  	s31 =	sshll.u32 s1, $0xD;
	s1 =	sshrl.u32 s1, $0x2  }
0xba: {  	s3 =	sand.u32 $0x4000, s31;
	s1 =	sadd.s32 s1, s30  }
0xbb: {  	s0 =	sor.u32 s3, s0;
	s1 =	sshll.u32 s1, $0x11  }
0xbc: {  	s0 =	sor.u32 s1, s0  }
0xbd: {  	s0 =	sadd.s32 $0x8F2B, s0  }
0xbe: {  	[sflag:s0] =	ssyncadd.remote.s32 $0x1  }
0xbf: {  	_ =	sfence.sel $0xFFFF  }
0xc0: {  	[dreg:$0x0] =	wrdreg $0xFFFFFFFF;
	(pc) =	sbr.abs _section_cstart, $3  }
0xc1: {  	[dreg:$0x1] =	wrdreg $0xFFFFFFFF  }
0xc2: {  	_ =	task.clear_ibuf [dreg:s7], $0x2FFFF;
	_ =	strace $0x9FFFFFFF  }
0xc3: {  	(tm) =	ssettm $0x7FFFFFFF  }
tec
execute0_lowered:
.L_overlay_start_1:
0x0: {  	(tag) =	ssettag $0x1  }
0x1: {  	s6 =	rddreg [dreg:$0x0]  }
0x2: {  	s2 =	rddreg [dreg:$0x1]  }
0x3: {  	s3 =	rddreg [dreg:$0x2]  }
0x4: {  	s0 =	rddreg [dreg:$0x3]  }
0x5: {  	s5 =	srdreg.scid;
	s1 =	stileid.u32;
	s4 =	simm.s32 $0x0  }
0x6: {  	s15 =	simm.s32 $0x1;
	s16 =	simm.s32 $0x50;
	s17 =	simm.s32 $0x2  }
0x7: {  	s18 =	simm.s32 $0x0;
	s7 =	sand.u32 $0x1, s5;
	s28 =	sshll.u32 s1, $0x1  }
0x8: {  	[smem:$0x7FF] =	sst s4;
	s9 =	sadd.s32 $0x16800, s6;
	s12 =	smul.u32 $0x1380, s1  }
0x9: {  	s31 =	sshll.u32 s1, $0x6;
	s13 =	sadd.s32 $0x13800, s3;
	p0 =	sne.s32 s1, $0xF  }
0xa: {  	s5 =	sor.u32 s7, s28;
	_ =	strace $0x80000047;
	s10 =	ssub.s32 $0x2, s7  }
0xb: {  	s29 =	smul.u32 $0x13880, s7;
	s7 =	sor.u32 $0x1C03, s31;
	s13 =	sshrl.u32 @!p0 s13, $0x3  }
0xc: {  	s8 =	smul.u32 $0x2710, s5;
	s5 =	sadd.s32 $0x16600, s6;
	s11 =	sshrl.u32 s10, $0x1  }
0xd: {  	s30 =	sadd.s32 s12, s3;
	s10 =	ssub.s32 s10, s11;
	s12 =	sadd.s32 s12, s29  }
0xe: {  	s11 =	sshrl.u32 s30, $0x3;
	s8 =	sshrl.u32 s8, $0x3;
	s12 =	sshrl.u32 s12, $0x3  }
0xf: {  	s10 =	smax.u32 s10, $0x1;
	s6 =	sadd.s32 s6, s8;
	s8 =	sshrl.u32 s29, $0x3  }
0x10: {  	s6 =	sadd.s32 $0xC840, s6;
	s14 =	sadd.s32 s9, s8;
	s8 =	sadd.s32 s9, s12  }
0x11: {  	s12 =	simm.s32 $0x3;
	s9 =	sadd.s32 $0x2700, s14;
	s14 =	simm.s32 $0x2710  }
.LBB2_1:
0x12: {  	[tilespmem:s4], [sflag:$0x1] =	stream.linear.gather [hbm4b:s6+s4], $0x2710, $0x38;
	[tilespmem:$0x3D18] =	vst v63  }
0x13: {  	[spmem:s11], [sflag:s7] =	dma.local [hbm:s2], $0x270  }
0x14: {  	_ =	swait.ge [sflag:s12], $0x270  }
0x15: {  	[sflag:s12] =	ssyncset.done $0x0  }
0x16: {  	s19 =	simm.s32 @!p0 $0x3;
	[sflag:s12] =	ssyncadd.s32 $0xFFFFFD90  }
0x17: {  	[spmem:s13], [sflag:s7] =	dma.local @!p0 [hbm:s2], $0x10  }
0x18: {  	_ =	swait.ge @!p0 [sflag:s19], $0x10  }
0x19: {  	[sflag:s19] =	ssyncset.done @!p0 $0x0  }
0x1a: {  	[sflag:s19] =	ssyncadd.s32 @!p0 $0xFFFFFFF0  }
0x1b: {  	[tilespmem:s14], [sflag:$0x3] =	stream.linear.gather [hbm4b:s5+s4], $0x280, $0x38;
	[tilespmem:$0x3D18] =	vst v63  }
0x1c: {  	_ =	swait.ge [sflag:s12], $0x280  }
0x1d: {  	[sflag:s12] =	ssyncset.done $0x0  }
0x1e: {  	[sflag:s12] =	ssyncadd.s32 $0xFFFFFD80  }
0x1f: {  	_ =	swait.ge [sflag:s15], $0x2710  }
0x20: {  	[sflag:s15] =	ssyncset.done $0x0  }
0x21: {  	[sflag:s15] =	ssyncadd.s32 $0xFFFFD8F0  }
0x22: {  	s26 =	simm.s32 $0x0;
	[bflag:$0x0] =	sbarrier.arrive $0xFFFF  }
0x23: {  	[spmem:s3] =	stream.indirect.scatter.add.f32 [tilespmem:s14], [sflag:$0x2], $0x8, s26, s16, $0xb8;
	[tilespmem:$0x3D18] =	vst v63  }
0x24: {  	s28 =	simm.s32 $0x50  }
0x25: {  	[spmem:s3] =	stream.indirect.scatter.add.f32 [tilespmem:s14], [sflag:$0x2], $0x8, s28, s16, $0xb8;
	[tilespmem:$0x3D18] =	vst v63  }
0x26: {  	s29 =	simm.s32 $0xA0  }
0x27: {  	[spmem:s3] =	stream.indirect.scatter.add.f32 [tilespmem:s14], [sflag:$0x2], $0x8, s29, s16, $0xb8;
	[tilespmem:$0x3D18] =	vst v63  }
0x28: {  	s30 =	simm.s32 $0xF0  }
0x29: {  	[spmem:s3] =	stream.indirect.scatter.add.f32 [tilespmem:s14], [sflag:$0x2], $0x8, s30, s16, $0xb8;
	[tilespmem:$0x3D18] =	vst v63  }
0x2a: {  	s31 =	simm.s32 $0x140  }
0x2b: {  	[spmem:s3] =	stream.indirect.scatter.add.f32 [tilespmem:s14], [sflag:$0x2], $0x8, s31, s16, $0xb8;
	[tilespmem:$0x3D18] =	vst v63  }
0x2c: {  	_ =	swait.ge [sflag:s17], $0x280  }
0x2d: {  	[sflag:s17] =	ssyncset.done $0x0  }
0x2e: {  	[sflag:s17] =	ssyncadd.s32 $0xFFFFFD80  }
0x2f: {  	_ =	swait.ge [sflag:s17], $0x280  }
0x30: {  	[sflag:s17] =	ssyncset.done $0x0  }
0x31: {  	[sflag:s17] =	ssyncadd.s32 $0xFFFFFD80  }
0x32: {  	_ =	swait.ge [sflag:s17], $0x280  }
0x33: {  	[sflag:s17] =	ssyncset.done $0x0  }
0x34: {  	[sflag:s17] =	ssyncadd.s32 $0xFFFFFD80  }
0x35: {  	_ =	swait.ge [sflag:s17], $0x280  }
0x36: {  	[sflag:s17] =	ssyncset.done $0x0  }
0x37: {  	[sflag:s17] =	ssyncadd.s32 $0xFFFFFD80  }
0x38: {  	_ =	swait.ge [sflag:s17], $0x280  }
0x39: {  	s20 =	simm.s32 $0xC80;
	s19 =	simm.s32 $0x640;
	[sflag:s17] =	ssyncset.done $0x0  }
.LBB2_2:
0x3a: {  	s21 =	sshra.s32 s19, $0x2  }
0x3b: {  	[sflag:s17] =	ssyncadd.s32 $0xFFFFFD80;
	s19 =	smov.u32 s20;
	s22 =	sadd.s32 $0x640, s20  }
0x3c: {  	[spmem:s3] =	stream.indirect.scatter.add.f32 [tilespmem:s14], [sflag:$0x2], $0x8, s21, s16, $0xb8;
	[tilespmem:$0x3D18] =	vst v63  }
0x3d: {  	p1 =	sne.s32 s20, $0x9600;
	s20 =	sadd.s32 $0x50, s21  }
0x3e: {  	[spmem:s3] =	stream.indirect.scatter.add.f32 [tilespmem:s14], [sflag:$0x2], $0x8, s20, s16, $0xb8;
	[tilespmem:$0x3D18] =	vst v63  }
0x3f: {  	s20 =	sadd.s32 $0xA0, s21  }
0x40: {  	[spmem:s3] =	stream.indirect.scatter.add.f32 [tilespmem:s14], [sflag:$0x2], $0x8, s20, s16, $0xb8;
	[tilespmem:$0x3D18] =	vst v63  }
0x41: {  	s20 =	sadd.s32 $0xF0, s21  }
0x42: {  	[spmem:s3] =	stream.indirect.scatter.add.f32 [tilespmem:s14], [sflag:$0x2], $0x8, s20, s16, $0xb8;
	[tilespmem:$0x3D18] =	vst v63  }
0x43: {  	s20 =	sadd.s32 $0x140, s21  }
0x44: {  	[spmem:s3] =	stream.indirect.scatter.add.f32 [tilespmem:s14], [sflag:$0x2], $0x8, s20, s16, $0xb8;
	[tilespmem:$0x3D18] =	vst v63  }
0x45: {  	_ =	swait.ge [sflag:s17], $0x280  }
0x46: {  	[sflag:s17] =	ssyncset.done $0x0  }
0x47: {  	[sflag:s17] =	ssyncadd.s32 $0xFFFFFD80  }
0x48: {  	_ =	swait.ge [sflag:s17], $0x280  }
0x49: {  	[sflag:s17] =	ssyncset.done $0x0  }
0x4a: {  	[sflag:s17] =	ssyncadd.s32 $0xFFFFFD80  }
0x4b: {  	_ =	swait.ge [sflag:s17], $0x280  }
0x4c: {  	[sflag:s17] =	ssyncset.done $0x0  }
0x4d: {  	[sflag:s17] =	ssyncadd.s32 $0xFFFFFD80  }
.Ltmp0:
0x4e: {  	_ =	swait.ge [sflag:s17], $0x280;
	(pc) =	sbr.rel @p1 .LBB2_2-.Ltmp0, $4  }
0x4f: {  	[sflag:s17] =	ssyncset.done $0x0  }
0x50: {  	[sflag:s17] =	ssyncadd.s32 $0xFFFFFD80  }
0x51: {  	_ =	swait.ge [sflag:s17], $0x280  }
0x52: {  	s20 =	smov.u32 s22;
	[sflag:s17] =	ssyncset.done $0x0  }
0x53: {  	s19 =	sshra.s32 s19, $0x2;
	[sflag:s17] =	ssyncadd.s32 $0xFFFFFD80  }
0x54: {  	[spmem:s3] =	stream.indirect.scatter.add.f32 [tilespmem:s14], [sflag:$0x2], $0x8, s19, s16, $0xb8;
	[tilespmem:$0x3D18] =	vst v63  }
0x55: {  	s20 =	sadd.s32 $0x50, s19  }
0x56: {  	[spmem:s3] =	stream.indirect.scatter.add.f32 [tilespmem:s14], [sflag:$0x2], $0x8, s20, s16, $0xb8;
	[tilespmem:$0x3D18] =	vst v63  }
0x57: {  	s30 =	sadd.s32 $0xA0, s19  }
0x58: {  	[spmem:s3] =	stream.indirect.scatter.add.f32 [tilespmem:s14], [sflag:$0x2], $0x8, s30, s16, $0xb8;
	[tilespmem:$0x3D18] =	vst v63  }
0x59: {  	s31 =	sadd.s32 $0xF0, s19  }
0x5a: {  	[spmem:s3] =	stream.indirect.scatter.add.f32 [tilespmem:s14], [sflag:$0x2], $0x8, s31, s16, $0xb8;
	[tilespmem:$0x3D18] =	vst v63  }
0x5b: {  	s19 =	sadd.s32 $0x140, s19  }
0x5c: {  	[spmem:s3] =	stream.indirect.scatter.add.f32 [tilespmem:s14], [sflag:$0x2], $0x8, s19, s16, $0xb8;
	[tilespmem:$0x3D18] =	vst v63  }
0x5d: {  	_ =	swait.ge [sflag:s17], $0x280  }
0x5e: {  	[sflag:s17] =	ssyncset.done $0x0  }
0x5f: {  	[sflag:s17] =	ssyncadd.s32 $0xFFFFFD80  }
0x60: {  	_ =	swait.ge [sflag:s17], $0x280  }
0x61: {  	[sflag:s17] =	ssyncset.done $0x0  }
0x62: {  	[sflag:s17] =	ssyncadd.s32 $0xFFFFFD80  }
0x63: {  	_ =	swait.ge [sflag:s17], $0x280  }
0x64: {  	[sflag:s17] =	ssyncset.done $0x0  }
0x65: {  	[sflag:s17] =	ssyncadd.s32 $0xFFFFFD80  }
0x66: {  	_ =	swait.ge [sflag:s17], $0x280  }
0x67: {  	[sflag:s17] =	ssyncset.done $0x0  }
0x68: {  	[sflag:s17] =	ssyncadd.s32 $0xFFFFFD80  }
0x69: {  	_ =	swait.ge [sflag:s17], $0x280  }
0x6a: {  	[sflag:s17] =	ssyncset.done $0x0  }
0x6b: {  	[sflag:s17] =	ssyncadd.s32 $0xFFFFFD80  }
0x6c: {  	[bflag:$0x0] =	sbarrier.arrive $0xFFFF  }
0x6d: {  	[hbm:s8], [sflag:s7] =	dma.local [spmem:s11], $0x270  }
0x6e: {  	s18 =	sadd.s32 $0x1, s18;
	_ =	swait.ge [sflag:s12], $0x270  }
0x6f: {  	p1 =	sne.s32 s18, s10;
	[sflag:s12] =	ssyncset.done $0x0  }
.Ltmp1:
0x70: {  	s19 =	simm.s32 @!p0 $0x3;
	[sflag:s12] =	ssyncadd.s32 $0xFFFFFD90;
	(pc) =	sbr.rel @p1 .LBB2_1-.Ltmp1, $4  }
0x71: {  	[hbm:s9], [sflag:s7] =	dma.local @!p0 [spmem:s13], $0x10  }
0x72: {  	_ =	swait.ge @!p0 [sflag:s19], $0x10  }
0x73: {  	[sflag:s19] =	ssyncset.done @!p0 $0x0  }
0x74: {  	[sflag:s19] =	ssyncadd.s32 @!p0 $0xFFFFFFF0  }
0x75: {  	_ =	sfence.sel $0x180000  }
0x76: {  	[bflag:$0x0] =	sbarrier.arrive $0xFFFF  }
0x77: {  	p0 =	sne.s32 s1, $0x0;
	_ =	strace $0x90000047  }
0x78: {  	s0 =	sadd.s32 @!p0 $0x100000, s0;
	[bflag:$0x2] =	sbarrier.arrive $0xFFFF  }
0x79: {  	[sflag:s0] =	ssyncadd.tile.s32 @!p0 $0x1;
	_ =	shalt  }
.Lfunc_end2:
_tile_overlayer_lowered:
.L_overlay_start_2:
0x7a: {  	(tag) =	ssettag $0x2  }
0x7b: {  	s0 =	rddreg [dreg:$0x0];
	s2 =	stileid.u32  }
0x7c: {  	s1 =	rddreg [dreg:$0x1];
	p0 =	sne.s32 s2, $0x0  }
0x7d: {  	s3 =	rddreg [dreg:$0x2];
	[bflag:$0x3] =	sbarrier.arrive $0xFFFF;
	s2 =	simm.s32 @!p0 $0x1C03  }
0x7e: {  	[timem:s3], [sflag:s2] =	dma.local @!p0 [hbm:s0], s1  }
0x7f: {  	s0 =	simm.s32 @!p0 $0x3  }
0x80: {  	_ =	swait.ge @!p0 [sflag:s0], s1  }
0x81: {  	s1 =	ssub.s32 @!p0 $0x0, s1;
	[sflag:s0] =	ssyncset.done @!p0 $0x0  }
0x82: {  	[sflag:s0] =	ssyncadd.s32 @!p0 s1  }
0x83: {  	[bflag:$0x3] =	sbarrier.arrive $0xFFFF  }
0x84: {  	_ =	shalt  }

</sc_bundles>
